<compile_context>
chip_gen: v7x
topology: tpu7x:2x2x1
jax: 0.10.2.dev20260603
libtpu: 0.0.44.dev20260713+nightly
codegen_flags: <defaults>
</compile_context>

<pallas_src>
import functools

import jax
import jax.numpy as jnp
from jax import lax
from jax.experimental import pallas as pl
from jax.experimental.pallas import tpu as pltpu
from jax.experimental.pallas import tpu_sc as plsc

_NUM_CORES = 2
_NUM_SUBCORES = 16
_NW = _NUM_CORES * _NUM_SUBCORES
_CHUNK = 200
_GROUP = 2


def _gather_kernel(n, dp):
    n_per_w = n // _NW
    n_chunks = n_per_w // _CHUNK
    n_groups = n_chunks // _GROUP
    mesh = plsc.VectorSubcoreMesh(
        core_axis_name="c",
        subcore_axis_name="s",
        num_cores=_NUM_CORES,
        num_subcores=_NUM_SUBCORES,
    )

    @functools.partial(
        pl.kernel,
        out_type=jax.ShapeDtypeStruct((n, dp), jnp.float32),
        mesh=mesh,
        scratch_types=[
            pltpu.VMEM((n_per_w,), jnp.int32),
            pltpu.VMEM((_GROUP * 2, _CHUNK, dp), jnp.float32),
            pltpu.SemaphoreType.DMA,
            pltpu.SemaphoreType.DMA,
            pltpu.SemaphoreType.DMA,
            pltpu.SemaphoreType.DMA,
        ],
        compiler_params=pltpu.CompilerParams(use_tc_tiling_on_sc=True),
    )
    def k(idx_hbm, table_hbm, out_hbm, idx_v, rows_v, sg0, sg1, sw0, sw1):
        wid = lax.axis_index("s") * _NUM_CORES + lax.axis_index("c")
        base = wid * n_per_w
        pltpu.sync_copy(idx_hbm.at[pl.ds(base, n_per_w)], idx_v)
        sg = (sg0, sg1)
        sw = (sw0, sw1)

        def start_gathers(grp, p):
            for q in range(_GROUP):
                off = (grp * _GROUP + q) * _CHUNK
                pltpu.async_copy(
                    table_hbm.at[idx_v.at[pl.ds(off, _CHUNK)]],
                    rows_v.at[_GROUP * p + q],
                    sg[p],
                )

        def wait_gathers(p):
            for q in range(_GROUP):
                pltpu.make_async_copy(
                    table_hbm.at[idx_v.at[pl.ds(0, _CHUNK)]],
                    rows_v.at[_GROUP * p + q],
                    sg[p],
                ).wait()

        def start_writes(grp, p):
            for q in range(_GROUP):
                off = (grp * _GROUP + q) * _CHUNK
                pltpu.async_copy(
                    rows_v.at[_GROUP * p + q],
                    out_hbm.at[pl.ds(base + off, _CHUNK)],
                    sw[p],
                )

        def wait_writes(p):
            for q in range(_GROUP):
                pltpu.make_async_copy(
                    rows_v.at[_GROUP * p + q],
                    out_hbm.at[pl.ds(base, _CHUNK)],
                    sw[p],
                ).wait()

        def run_group(grp, p, wait_prev_writes, start_next):
            wait_gathers(p)
            if wait_prev_writes:
                wait_writes(1 - p)
            if start_next:
                start_gathers(grp + 1, 1 - p)
            start_writes(grp, p)

        start_gathers(0, 0)
        run_group(0, 0, False, True)
        run_group(1, 1, True, True)

        def body(jj, carry):
            run_group(2 * jj, 0, True, True)
            run_group(2 * jj + 1, 1, True, True)
            return carry

        lax.fori_loop(1, n_groups // 2 - 1, body, 0)

        run_group(n_groups - 2, 0, True, True)
        run_group(n_groups - 1, 1, True, False)
        wait_writes(1)

    return k


def _pad_transpose(v, d):
    blk = 16384

    def body(tt_ref, out_ref):
        out_ref[:, :d] = tt_ref[...].T
        out_ref[:, d:] = jnp.zeros((blk, 128 - d), jnp.float32)

    return pl.pallas_call(
        body,
        grid=((v + blk - 1) // blk,),
        in_specs=[pl.BlockSpec((d, blk), lambda j: (0, j))],
        out_specs=pl.BlockSpec((blk, 128), lambda j: (j, 0)),
        out_shape=jax.ShapeDtypeStruct((v, 128), jnp.float32),
    )


def kernel(idx, table):
    b, t = idx.shape
    v, d = table.shape
    n = b * t
    table_p = _pad_transpose(v, d)(table.T)
    out = _gather_kernel(n, 128)(idx.reshape(n), table_p)
    return out[:, :d].reshape(b, t, d)

# --- scband reference (transcript-rebuilt; emitter-appended) ---
"""Pipeline reference for scband-bigram-5849745457479 (READ-ONLY COPY).

The authoritative reference and input builder live on the scoring server;
editing this copy changes nothing except your own understanding.
"""

import jax, jax.numpy as jnp
import numpy as np

VOCAB = 1000000
EMBED = 64
B, T = 4096, 200


def setup_inputs(seed: int = 0) -> dict:
    key = jax.random.key(seed)
    k_idx, k_tab = jax.random.split(key)
    # forward arg (int indices into the embedding table)
    idx = jax.random.randint(k_idx, (B, T), 0, VOCAB, dtype=jnp.int32)
    # learned parameter: embedding table, sized per init_kwargs
    table = jax.random.normal(k_tab, (VOCAB, EMBED), dtype=jnp.float32)
    return {"idx": idx, "table": table}


def reference(idx, table):
    # Bigram.forward with targets=None: logits = token_embedding_table(idx)
    # embedding lookup -> gather rows of table
    logits = jnp.take(table, idx, axis=0)  # [B, T, EMBED]
    return logits

if __name__ == "__main__":
    import jax
    _d = setup_inputs()
    print(jax.jit(kernel)(*tuple(_d.values())))

</pallas_src>

<mosaic_0001>
#map = affine_map<(d0, d1) -> (0)>
#map1 = affine_map<(d0, d1) -> (0, 0)>
module attributes {stable_mosaic.version = 14 : i64} {
  func.func @k(%arg0: i32, %arg1: i32, %arg2: memref<819200xi32, #tpu.memory_space<hbm>>, %arg3: memref<1000000x128xf32, #tpu.memory_space<hbm>>, %arg4: memref<819200x128xf32, #tpu.memory_space<hbm>>, %arg5: memref<25600xi32, #tpu.memory_space<vmem>>, %arg6: memref<4x200x128xf32, #tpu.memory_space<vmem>>, %arg7: memref<!tpu.dma_semaphore, #tpu.memory_space<semaphore_mem>>, %arg8: memref<!tpu.dma_semaphore, #tpu.memory_space<semaphore_mem>>, %arg9: memref<!tpu.dma_semaphore, #tpu.memory_space<semaphore_mem>>, %arg10: memref<!tpu.dma_semaphore, #tpu.memory_space<semaphore_mem>>) attributes {dimension_semantics = [#tpu.dimension_semantics<core_parallel>, #tpu.dimension_semantics<subcore_parallel>], iteration_bounds = array<i64: 2, 16>, scalar_prefetch = 0 : i64, scratch_operands = 6 : i64, tpu.core_type = #tpu.core_type<sc_vector_subcore>, window_params = [{transform_indices = #map}, {transform_indices = #map1}, {transform_indices = #map1}]} {
    %mul3A = arith.constant 2 : i32
    %mul3A_0 = arith.muli %arg1, %mul3A : i32
    %add3A = arith.addi %mul3A_0, %arg0 : i32
    %mul3A_1 = arith.constant 25600 : i32
    %mul3A_2 = arith.muli %add3A, %mul3A_1 : i32
    "tpu.region"() ({
      %run_scoped3A = tpu.sem_alloc : memref<!tpu.dma_semaphore, #tpu.memory_space<semaphore_mem>>
      %dma_start3A_390 = tpu.memref_slice %arg2[%mul3A_2] : memref<819200xi32, #tpu.memory_space<hbm>> -> memref<25600xi32, #tpu.memory_space<hbm>>
      %dma_start3A_391 = tpu.memref_slice %arg2[%mul3A_2] : memref<819200xi32, #tpu.memory_space<hbm>> -> memref<25600xi32, #tpu.memory_space<hbm>>
      tpu.enqueue_dma source(%dma_start3A_391 : memref<25600xi32, #tpu.memory_space<hbm>>) target(%arg5 : memref<25600xi32, #tpu.memory_space<vmem>>) target_semaphore(%run_scoped3A : memref<!tpu.dma_semaphore, #tpu.memory_space<semaphore_mem>>)
      %dma_wait3A_392 = tpu.memref_slice %arg2[%mul3A_2] : memref<819200xi32, #tpu.memory_space<hbm>> -> memref<25600xi32, #tpu.memory_space<hbm>>
      %dma_wait3A_393 = tpu.memref_slice %arg2[%mul3A_2] : memref<819200xi32, #tpu.memory_space<hbm>> -> memref<25600xi32, #tpu.memory_space<hbm>>
      tpu.wait_dma2 semaphore(%run_scoped3A : memref<!tpu.dma_semaphore, #tpu.memory_space<semaphore_mem>>) src(%dma_wait3A_393 : memref<25600xi32, #tpu.memory_space<hbm>>) dst(%arg5 : memref<25600xi32, #tpu.memory_space<vmem>>)
      tpu.yield
    }) : () -> ()
    %dma_start3A = arith.constant 0 : i32
    %dma_start3A_3 = arith.constant 0 : i32
    %dma_start3A_4 = arith.constant 0 : i32
    %dma_start3A_5 = tpu.memref_slice %arg6[%dma_start3A, %dma_start3A_3, %dma_start3A_4] : memref<4x200x128xf32, #tpu.memory_space<vmem>> -> memref<1x200x128xf32, #tpu.memory_space<vmem>>
    %dma_start3A_6 = tpu.memref_squeeze %dma_start3A_5 : memref<1x200x128xf32, #tpu.memory_space<vmem>> -> memref<200x128xf32, #tpu.memory_space<vmem>>
    %dma_start3A_7 = arith.constant 0 : i32
    %dma_start3A_8 = tpu.memref_slice %arg5[%dma_start3A_7] : memref<25600xi32, #tpu.memory_space<vmem>> -> memref<200xi32, #tpu.memory_space<vmem>>
    %dma_start3A_9 = arith.constant 0 : i32
    %dma_start3A_10 = arith.constant 0 : i32
    %dma_start3A_11 = tpu.memref_slice %arg3[%dma_start3A_9, %dma_start3A_10] : memref<1000000x128xf32, #tpu.memory_space<hbm>> -> memref<1000000x128xf32, #tpu.memory_space<hbm>>
    tpu.enqueue_indirect_dma source(%dma_start3A_11 : memref<1000000x128xf32, #tpu.memory_space<hbm>>) target(%dma_start3A_6 : memref<200x128xf32, #tpu.memory_space<vmem>>) offsets(%dma_start3A_8 : memref<200xi32, #tpu.memory_space<vmem>>) semaphore(%arg7 : memref<!tpu.dma_semaphore, #tpu.memory_space<semaphore_mem>>)
    %dma_start3A_12 = arith.constant 1 : i32
    %dma_start3A_13 = arith.constant 0 : i32
    %dma_start3A_14 = arith.constant 0 : i32
    %dma_start3A_15 = tpu.memref_slice %arg6[%dma_start3A_12, %dma_start3A_13, %dma_start3A_14] : memref<4x200x128xf32, #tpu.memory_space<vmem>> -> memref<1x200x128xf32, #tpu.memory_space<vmem>>
    %dma_start3A_16 = tpu.memref_squeeze %dma_start3A_15 : memref<1x200x128xf32, #tpu.memory_space<vmem>> -> memref<200x128xf32, #tpu.memory_space<vmem>>
    %dma_start3A_17 = arith.constant 200 : i32
    %dma_start3A_18 = tpu.memref_slice %arg5[%dma_start3A_17] : memref<25600xi32, #tpu.memory_space<vmem>> -> memref<200xi32, #tpu.memory_space<vmem>>
    %dma_start3A_19 = arith.constant 0 : i32
    %dma_start3A_20 = arith.constant 0 : i32
    %dma_start3A_21 = tpu.memref_slice %arg3[%dma_start3A_19, %dma_start3A_20] : memref<1000000x128xf32, #tpu.memory_space<hbm>> -> memref<1000000x128xf32, #tpu.memory_space<hbm>>
    tpu.enqueue_indirect_dma source(%dma_start3A_21 : memref<1000000x128xf32, #tpu.memory_space<hbm>>) target(%dma_start3A_16 : memref<200x128xf32, #tpu.memory_space<vmem>>) offsets(%dma_start3A_18 : memref<200xi32, #tpu.memory_space<vmem>>) semaphore(%arg7 : memref<!tpu.dma_semaphore, #tpu.memory_space<semaphore_mem>>)
    %dma_wait3A = arith.constant 0 : i32
    %dma_wait3A_22 = arith.constant 0 : i32
    %dma_wait3A_23 = arith.constant 0 : i32
    %dma_wait3A_24 = tpu.memref_slice %arg6[%dma_wait3A, %dma_wait3A_22, %dma_wait3A_23] : memref<4x200x128xf32, #tpu.memory_space<vmem>> -> memref<1x200x128xf32, #tpu.memory_space<vmem>>
    %dma_wait3A_25 = tpu.memref_squeeze %dma_wait3A_24 : memref<1x200x128xf32, #tpu.memory_space<vmem>> -> memref<200x128xf32, #tpu.memory_space<vmem>>
    %dma_wait3A_26 = arith.constant 0 : i32
    %dma_wait3A_27 = tpu.memref_slice %arg5[%dma_wait3A_26] : memref<25600xi32, #tpu.memory_space<vmem>> -> memref<200xi32, #tpu.memory_space<vmem>>
    %dma_wait3A_28 = arith.constant 0 : i32
    %dma_wait3A_29 = arith.constant 0 : i32
    %dma_wait3A_30 = tpu.memref_slice %arg3[%dma_wait3A_28, %dma_wait3A_29] : memref<1000000x128xf32, #tpu.memory_space<hbm>> -> memref<1000000x128xf32, #tpu.memory_space<hbm>>
    tpu.wait_indirect_dma semaphore(%arg7 : memref<!tpu.dma_semaphore, #tpu.memory_space<semaphore_mem>>) src(%dma_wait3A_30 : memref<1000000x128xf32, #tpu.memory_space<hbm>>) dst(%dma_wait3A_25 : memref<200x128xf32, #tpu.memory_space<vmem>>)
    %dma_wait3A_31 = arith.constant 1 : i32
    %dma_wait3A_32 = arith.constant 0 : i32
    %dma_wait3A_33 = arith.constant 0 : i32
    %dma_wait3A_34 = tpu.memref_slice %arg6[%dma_wait3A_31, %dma_wait3A_32, %dma_wait3A_33] : memref<4x200x128xf32, #tpu.memory_space<vmem>> -> memref<1x200x128xf32, #tpu.memory_space<vmem>>
    %dma_wait3A_35 = tpu.memref_squeeze %dma_wait3A_34 : memref<1x200x128xf32, #tpu.memory_space<vmem>> -> memref<200x128xf32, #tpu.memory_space<vmem>>
    %dma_wait3A_36 = arith.constant 0 : i32
    %dma_wait3A_37 = tpu.memref_slice %arg5[%dma_wait3A_36] : memref<25600xi32, #tpu.memory_space<vmem>> -> memref<200xi32, #tpu.memory_space<vmem>>
    %dma_wait3A_38 = arith.constant 0 : i32
    %dma_wait3A_39 = arith.constant 0 : i32
    %dma_wait3A_40 = tpu.memref_slice %arg3[%dma_wait3A_38, %dma_wait3A_39] : memref<1000000x128xf32, #tpu.memory_space<hbm>> -> memref<1000000x128xf32, #tpu.memory_space<hbm>>
    tpu.wait_indirect_dma semaphore(%arg7 : memref<!tpu.dma_semaphore, #tpu.memory_space<semaphore_mem>>) src(%dma_wait3A_40 : memref<1000000x128xf32, #tpu.memory_space<hbm>>) dst(%dma_wait3A_35 : memref<200x128xf32, #tpu.memory_space<vmem>>)
    %dma_start3A_41 = arith.constant 2 : i32
    %dma_start3A_42 = arith.constant 0 : i32
    %dma_start3A_43 = arith.constant 0 : i32
    %dma_start3A_44 = tpu.memref_slice %arg6[%dma_start3A_41, %dma_start3A_42, %dma_start3A_43] : memref<4x200x128xf32, #tpu.memory_space<vmem>> -> memref<1x200x128xf32, #tpu.memory_space<vmem>>
    %dma_start3A_45 = tpu.memref_squeeze %dma_start3A_44 : memref<1x200x128xf32, #tpu.memory_space<vmem>> -> memref<200x128xf32, #tpu.memory_space<vmem>>
    %dma_start3A_46 = arith.constant 400 : i32
    %dma_start3A_47 = tpu.memref_slice %arg5[%dma_start3A_46] : memref<25600xi32, #tpu.memory_space<vmem>> -> memref<200xi32, #tpu.memory_space<vmem>>
    %dma_start3A_48 = arith.constant 0 : i32
    %dma_start3A_49 = arith.constant 0 : i32
    %dma_start3A_50 = tpu.memref_slice %arg3[%dma_start3A_48, %dma_start3A_49] : memref<1000000x128xf32, #tpu.memory_space<hbm>> -> memref<1000000x128xf32, #tpu.memory_space<hbm>>
    tpu.enqueue_indirect_dma source(%dma_start3A_50 : memref<1000000x128xf32, #tpu.memory_space<hbm>>) target(%dma_start3A_45 : memref<200x128xf32, #tpu.memory_space<vmem>>) offsets(%dma_start3A_47 : memref<200xi32, #tpu.memory_space<vmem>>) semaphore(%arg8 : memref<!tpu.dma_semaphore, #tpu.memory_space<semaphore_mem>>)
    %dma_start3A_51 = arith.constant 3 : i32
    %dma_start3A_52 = arith.constant 0 : i32
    %dma_start3A_53 = arith.constant 0 : i32
    %dma_start3A_54 = tpu.memref_slice %arg6[%dma_start3A_51, %dma_start3A_52, %dma_start3A_53] : memref<4x200x128xf32, #tpu.memory_space<vmem>> -> memref<1x200x128xf32, #tpu.memory_space<vmem>>
    %dma_start3A_55 = tpu.memref_squeeze %dma_start3A_54 : memref<1x200x128xf32, #tpu.memory_space<vmem>> -> memref<200x128xf32, #tpu.memory_space<vmem>>
    %dma_start3A_56 = arith.constant 600 : i32
    %dma_start3A_57 = tpu.memref_slice %arg5[%dma_start3A_56] : memref<25600xi32, #tpu.memory_space<vmem>> -> memref<200xi32, #tpu.memory_space<vmem>>
    %dma_start3A_58 = arith.constant 0 : i32
    %dma_start3A_59 = arith.constant 0 : i32
    %dma_start3A_60 = tpu.memref_slice %arg3[%dma_start3A_58, %dma_start3A_59] : memref<1000000x128xf32, #tpu.memory_space<hbm>> -> memref<1000000x128xf32, #tpu.memory_space<hbm>>
    tpu.enqueue_indirect_dma source(%dma_start3A_60 : memref<1000000x128xf32, #tpu.memory_space<hbm>>) target(%dma_start3A_55 : memref<200x128xf32, #tpu.memory_space<vmem>>) offsets(%dma_start3A_57 : memref<200xi32, #tpu.memory_space<vmem>>) semaphore(%arg8 : memref<!tpu.dma_semaphore, #tpu.memory_space<semaphore_mem>>)
    %add3A_61 = arith.constant 0 : i32
    %add3A_62 = arith.addi %mul3A_2, %add3A_61 : i32
    %dma_start3A_63 = arith.constant 0 : i32
    %dma_start3A_64 = arith.constant 0 : i32
    %dma_start3A_65 = arith.constant 0 : i32
    %dma_start3A_66 = tpu.memref_slice %arg6[%dma_start3A_63, %dma_start3A_64, %dma_start3A_65] : memref<4x200x128xf32, #tpu.memory_space<vmem>> -> memref<1x200x128xf32, #tpu.memory_space<vmem>>
    %dma_start3A_67 = tpu.memref_squeeze %dma_start3A_66 : memref<1x200x128xf32, #tpu.memory_space<vmem>> -> memref<200x128xf32, #tpu.memory_space<vmem>>
    %dma_start3A_68 = arith.constant 0 : i32
    %dma_start3A_69 = tpu.memref_slice %arg4[%add3A_62, %dma_start3A_68] : memref<819200x128xf32, #tpu.memory_space<hbm>> -> memref<200x128xf32, #tpu.memory_space<hbm>>
    %dma_start3A_70 = arith.constant 0 : i32
    %dma_start3A_71 = tpu.memref_slice %arg4[%add3A_62, %dma_start3A_70] : memref<819200x128xf32, #tpu.memory_space<hbm>> -> memref<200x128xf32, #tpu.memory_space<hbm>>
    %dma_start3A_72 = arith.constant 0 : i32
    %dma_start3A_73 = arith.constant 0 : i32
    %dma_start3A_74 = tpu.memref_slice %arg6[%dma_start3A_63, %dma_start3A_72, %dma_start3A_73] : memref<4x200x128xf32, #tpu.memory_space<vmem>> -> memref<1x200x128xf32, #tpu.memory_space<vmem>>
    %dma_start3A_75 = tpu.memref_squeeze %dma_start3A_74 : memref<1x200x128xf32, #tpu.memory_space<vmem>> -> memref<200x128xf32, #tpu.memory_space<vmem>>
    tpu.enqueue_dma source(%dma_start3A_75 : memref<200x128xf32, #tpu.memory_space<vmem>>) target(%dma_start3A_71 : memref<200x128xf32, #tpu.memory_space<hbm>>) target_semaphore(%arg9 : memref<!tpu.dma_semaphore, #tpu.memory_space<semaphore_mem>>)
    %add3A_76 = arith.constant 200 : i32
    %add3A_77 = arith.addi %mul3A_2, %add3A_76 : i32
    %dma_start3A_78 = arith.constant 1 : i32
    %dma_start3A_79 = arith.constant 0 : i32
    %dma_start3A_80 = arith.constant 0 : i32
    %dma_start3A_81 = tpu.memref_slice %arg6[%dma_start3A_78, %dma_start3A_79, %dma_start3A_80] : memref<4x200x128xf32, #tpu.memory_space<vmem>> -> memref<1x200x128xf32, #tpu.memory_space<vmem>>
    %dma_start3A_82 = tpu.memref_squeeze %dma_start3A_81 : memref<1x200x128xf32, #tpu.memory_space<vmem>> -> memref<200x128xf32, #tpu.memory_space<vmem>>
    %dma_start3A_83 = arith.constant 0 : i32
    %dma_start3A_84 = tpu.memref_slice %arg4[%add3A_77, %dma_start3A_83] : memref<819200x128xf32, #tpu.memory_space<hbm>> -> memref<200x128xf32, #tpu.memory_space<hbm>>
    %dma_start3A_85 = arith.constant 0 : i32
    %dma_start3A_86 = tpu.memref_slice %arg4[%add3A_77, %dma_start3A_85] : memref<819200x128xf32, #tpu.memory_space<hbm>> -> memref<200x128xf32, #tpu.memory_space<hbm>>
    %dma_start3A_87 = arith.constant 0 : i32
    %dma_start3A_88 = arith.constant 0 : i32
    %dma_start3A_89 = tpu.memref_slice %arg6[%dma_start3A_78, %dma_start3A_87, %dma_start3A_88] : memref<4x200x128xf32, #tpu.memory_space<vmem>> -> memref<1x200x128xf32, #tpu.memory_space<vmem>>
    %dma_start3A_90 = tpu.memref_squeeze %dma_start3A_89 : memref<1x200x128xf32, #tpu.memory_space<vmem>> -> memref<200x128xf32, #tpu.memory_space<vmem>>
    tpu.enqueue_dma source(%dma_start3A_90 : memref<200x128xf32, #tpu.memory_space<vmem>>) target(%dma_start3A_86 : memref<200x128xf32, #tpu.memory_space<hbm>>) target_semaphore(%arg9 : memref<!tpu.dma_semaphore, #tpu.memory_space<semaphore_mem>>)
    %dma_wait3A_91 = arith.constant 2 : i32
    %dma_wait3A_92 = arith.constant 0 : i32
    %dma_wait3A_93 = arith.constant 0 : i32
    %dma_wait3A_94 = tpu.memref_slice %arg6[%dma_wait3A_91, %dma_wait3A_92, %dma_wait3A_93] : memref<4x200x128xf32, #tpu.memory_space<vmem>> -> memref<1x200x128xf32, #tpu.memory_space<vmem>>
    %dma_wait3A_95 = tpu.memref_squeeze %dma_wait3A_94 : memref<1x200x128xf32, #tpu.memory_space<vmem>> -> memref<200x128xf32, #tpu.memory_space<vmem>>
    %dma_wait3A_96 = arith.constant 0 : i32
    %dma_wait3A_97 = tpu.memref_slice %arg5[%dma_wait3A_96] : memref<25600xi32, #tpu.memory_space<vmem>> -> memref<200xi32, #tpu.memory_space<vmem>>
    %dma_wait3A_98 = arith.constant 0 : i32
    %dma_wait3A_99 = arith.constant 0 : i32
    %dma_wait3A_100 = tpu.memref_slice %arg3[%dma_wait3A_98, %dma_wait3A_99] : memref<1000000x128xf32, #tpu.memory_space<hbm>> -> memref<1000000x128xf32, #tpu.memory_space<hbm>>
    tpu.wait_indirect_dma semaphore(%arg8 : memref<!tpu.dma_semaphore, #tpu.memory_space<semaphore_mem>>) src(%dma_wait3A_100 : memref<1000000x128xf32, #tpu.memory_space<hbm>>) dst(%dma_wait3A_95 : memref<200x128xf32, #tpu.memory_space<vmem>>)
    %dma_wait3A_101 = arith.constant 3 : i32
    %dma_wait3A_102 = arith.constant 0 : i32
    %dma_wait3A_103 = arith.constant 0 : i32
    %dma_wait3A_104 = tpu.memref_slice %arg6[%dma_wait3A_101, %dma_wait3A_102, %dma_wait3A_103] : memref<4x200x128xf32, #tpu.memory_space<vmem>> -> memref<1x200x128xf32, #tpu.memory_space<vmem>>
    %dma_wait3A_105 = tpu.memref_squeeze %dma_wait3A_104 : memref<1x200x128xf32, #tpu.memory_space<vmem>> -> memref<200x128xf32, #tpu.memory_space<vmem>>
    %dma_wait3A_106 = arith.constant 0 : i32
    %dma_wait3A_107 = tpu.memref_slice %arg5[%dma_wait3A_106] : memref<25600xi32, #tpu.memory_space<vmem>> -> memref<200xi32, #tpu.memory_space<vmem>>
    %dma_wait3A_108 = arith.constant 0 : i32
    %dma_wait3A_109 = arith.constant 0 : i32
    %dma_wait3A_110 = tpu.memref_slice %arg3[%dma_wait3A_108, %dma_wait3A_109] : memref<1000000x128xf32, #tpu.memory_space<hbm>> -> memref<1000000x128xf32, #tpu.memory_space<hbm>>
    tpu.wait_indirect_dma semaphore(%arg8 : memref<!tpu.dma_semaphore, #tpu.memory_space<semaphore_mem>>) src(%dma_wait3A_110 : memref<1000000x128xf32, #tpu.memory_space<hbm>>) dst(%dma_wait3A_105 : memref<200x128xf32, #tpu.memory_space<vmem>>)
    %dma_wait3A_111 = arith.constant 0 : i32
    %dma_wait3A_112 = arith.constant 0 : i32
    %dma_wait3A_113 = arith.constant 0 : i32
    %dma_wait3A_114 = tpu.memref_slice %arg6[%dma_wait3A_111, %dma_wait3A_112, %dma_wait3A_113] : memref<4x200x128xf32, #tpu.memory_space<vmem>> -> memref<1x200x128xf32, #tpu.memory_space<vmem>>
    %dma_wait3A_115 = tpu.memref_squeeze %dma_wait3A_114 : memref<1x200x128xf32, #tpu.memory_space<vmem>> -> memref<200x128xf32, #tpu.memory_space<vmem>>
    %dma_wait3A_116 = arith.constant 0 : i32
    %dma_wait3A_117 = tpu.memref_slice %arg4[%mul3A_2, %dma_wait3A_116] : memref<819200x128xf32, #tpu.memory_space<hbm>> -> memref<200x128xf32, #tpu.memory_space<hbm>>
    %dma_wait3A_118 = arith.constant 0 : i32
    %dma_wait3A_119 = tpu.memref_slice %arg4[%mul3A_2, %dma_wait3A_118] : memref<819200x128xf32, #tpu.memory_space<hbm>> -> memref<200x128xf32, #tpu.memory_space<hbm>>
    %dma_wait3A_120 = arith.constant 0 : i32
    %dma_wait3A_121 = arith.constant 0 : i32
    %dma_wait3A_122 = tpu.memref_slice %arg6[%dma_wait3A_111, %dma_wait3A_120, %dma_wait3A_121] : memref<4x200x128xf32, #tpu.memory_space<vmem>> -> memref<1x200x128xf32, #tpu.memory_space<vmem>>
    %dma_wait3A_123 = tpu.memref_squeeze %dma_wait3A_122 : memref<1x200x128xf32, #tpu.memory_space<vmem>> -> memref<200x128xf32, #tpu.memory_space<vmem>>
    tpu.wait_dma2 semaphore(%arg9 : memref<!tpu.dma_semaphore, #tpu.memory_space<semaphore_mem>>) src(%dma_wait3A_123 : memref<200x128xf32, #tpu.memory_space<vmem>>) dst(%dma_wait3A_119 : memref<200x128xf32, #tpu.memory_space<hbm>>)
    %dma_wait3A_124 = arith.constant 1 : i32
    %dma_wait3A_125 = arith.constant 0 : i32
    %dma_wait3A_126 = arith.constant 0 : i32
    %dma_wait3A_127 = tpu.memref_slice %arg6[%dma_wait3A_124, %dma_wait3A_125, %dma_wait3A_126] : memref<4x200x128xf32, #tpu.memory_space<vmem>> -> memref<1x200x128xf32, #tpu.memory_space<vmem>>
    %dma_wait3A_128 = tpu.memref_squeeze %dma_wait3A_127 : memref<1x200x128xf32, #tpu.memory_space<vmem>> -> memref<200x128xf32, #tpu.memory_space<vmem>>
    %dma_wait3A_129 = arith.constant 0 : i32
    %dma_wait3A_130 = tpu.memref_slice %arg4[%mul3A_2, %dma_wait3A_129] : memref<819200x128xf32, #tpu.memory_space<hbm>> -> memref<200x128xf32, #tpu.memory_space<hbm>>
    %dma_wait3A_131 = arith.constant 0 : i32
    %dma_wait3A_132 = tpu.memref_slice %arg4[%mul3A_2, %dma_wait3A_131] : memref<819200x128xf32, #tpu.memory_space<hbm>> -> memref<200x128xf32, #tpu.memory_space<hbm>>
    %dma_wait3A_133 = arith.constant 0 : i32
    %dma_wait3A_134 = arith.constant 0 : i32
    %dma_wait3A_135 = tpu.memref_slice %arg6[%dma_wait3A_124, %dma_wait3A_133, %dma_wait3A_134] : memref<4x200x128xf32, #tpu.memory_space<vmem>> -> memref<1x200x128xf32, #tpu.memory_space<vmem>>
    %dma_wait3A_136 = tpu.memref_squeeze %dma_wait3A_135 : memref<1x200x128xf32, #tpu.memory_space<vmem>> -> memref<200x128xf32, #tpu.memory_space<vmem>>
    tpu.wait_dma2 semaphore(%arg9 : memref<!tpu.dma_semaphore, #tpu.memory_space<semaphore_mem>>) src(%dma_wait3A_136 : memref<200x128xf32, #tpu.memory_space<vmem>>) dst(%dma_wait3A_132 : memref<200x128xf32, #tpu.memory_space<hbm>>)
    %dma_start3A_137 = arith.constant 0 : i32
    %dma_start3A_138 = arith.constant 0 : i32
    %dma_start3A_139 = arith.constant 0 : i32
    %dma_start3A_140 = tpu.memref_slice %arg6[%dma_start3A_137, %dma_start3A_138, %dma_start3A_139] : memref<4x200x128xf32, #tpu.memory_space<vmem>> -> memref<1x200x128xf32, #tpu.memory_space<vmem>>
    %dma_start3A_141 = tpu.memref_squeeze %dma_start3A_140 : memref<1x200x128xf32, #tpu.memory_space<vmem>> -> memref<200x128xf32, #tpu.memory_space<vmem>>
    %dma_start3A_142 = arith.constant 800 : i32
    %dma_start3A_143 = tpu.memref_slice %arg5[%dma_start3A_142] : memref<25600xi32, #tpu.memory_space<vmem>> -> memref<200xi32, #tpu.memory_space<vmem>>
    %dma_start3A_144 = arith.constant 0 : i32
    %dma_start3A_145 = arith.constant 0 : i32
    %dma_start3A_146 = tpu.memref_slice %arg3[%dma_start3A_144, %dma_start3A_145] : memref<1000000x128xf32, #tpu.memory_space<hbm>> -> memref<1000000x128xf32, #tpu.memory_space<hbm>>
    tpu.enqueue_indirect_dma source(%dma_start3A_146 : memref<1000000x128xf32, #tpu.memory_space<hbm>>) target(%dma_start3A_141 : memref<200x128xf32, #tpu.memory_space<vmem>>) offsets(%dma_start3A_143 : memref<200xi32, #tpu.memory_space<vmem>>) semaphore(%arg7 : memref<!tpu.dma_semaphore, #tpu.memory_space<semaphore_mem>>)
    %dma_start3A_147 = arith.constant 1 : i32
    %dma_start3A_148 = arith.constant 0 : i32
    %dma_start3A_149 = arith.constant 0 : i32
    %dma_start3A_150 = tpu.memref_slice %arg6[%dma_start3A_147, %dma_start3A_148, %dma_start3A_149] : memref<4x200x128xf32, #tpu.memory_space<vmem>> -> memref<1x200x128xf32, #tpu.memory_space<vmem>>
    %dma_start3A_151 = tpu.memref_squeeze %dma_start3A_150 : memref<1x200x128xf32, #tpu.memory_space<vmem>> -> memref<200x128xf32, #tpu.memory_space<vmem>>
    %dma_start3A_152 = arith.constant 1000 : i32
    %dma_start3A_153 = tpu.memref_slice %arg5[%dma_start3A_152] : memref<25600xi32, #tpu.memory_space<vmem>> -> memref<200xi32, #tpu.memory_space<vmem>>
    %dma_start3A_154 = arith.constant 0 : i32
    %dma_start3A_155 = arith.constant 0 : i32
    %dma_start3A_156 = tpu.memref_slice %arg3[%dma_start3A_154, %dma_start3A_155] : memref<1000000x128xf32, #tpu.memory_space<hbm>> -> memref<1000000x128xf32, #tpu.memory_space<hbm>>
    tpu.enqueue_indirect_dma source(%dma_start3A_156 : memref<1000000x128xf32, #tpu.memory_space<hbm>>) target(%dma_start3A_151 : memref<200x128xf32, #tpu.memory_space<vmem>>) offsets(%dma_start3A_153 : memref<200xi32, #tpu.memory_space<vmem>>) semaphore(%arg7 : memref<!tpu.dma_semaphore, #tpu.memory_space<semaphore_mem>>)
    %add3A_157 = arith.constant 400 : i32
    %add3A_158 = arith.addi %mul3A_2, %add3A_157 : i32
    %dma_start3A_159 = arith.constant 2 : i32
    %dma_start3A_160 = arith.constant 0 : i32
    %dma_start3A_161 = arith.constant 0 : i32
    %dma_start3A_162 = tpu.memref_slice %arg6[%dma_start3A_159, %dma_start3A_160, %dma_start3A_161] : memref<4x200x128xf32, #tpu.memory_space<vmem>> -> memref<1x200x128xf32, #tpu.memory_space<vmem>>
    %dma_start3A_163 = tpu.memref_squeeze %dma_start3A_162 : memref<1x200x128xf32, #tpu.memory_space<vmem>> -> memref<200x128xf32, #tpu.memory_space<vmem>>
    %dma_start3A_164 = arith.constant 0 : i32
    %dma_start3A_165 = tpu.memref_slice %arg4[%add3A_158, %dma_start3A_164] : memref<819200x128xf32, #tpu.memory_space<hbm>> -> memref<200x128xf32, #tpu.memory_space<hbm>>
    %dma_start3A_166 = arith.constant 0 : i32
    %dma_start3A_167 = tpu.memref_slice %arg4[%add3A_158, %dma_start3A_166] : memref<819200x128xf32, #tpu.memory_space<hbm>> -> memref<200x128xf32, #tpu.memory_space<hbm>>
    %dma_start3A_168 = arith.constant 0 : i32
    %dma_start3A_169 = arith.constant 0 : i32
    %dma_start3A_170 = tpu.memref_slice %arg6[%dma_start3A_159, %dma_start3A_168, %dma_start3A_169] : memref<4x200x128xf32, #tpu.memory_space<vmem>> -> memref<1x200x128xf32, #tpu.memory_space<vmem>>
    %dma_start3A_171 = tpu.memref_squeeze %dma_start3A_170 : memref<1x200x128xf32, #tpu.memory_space<vmem>> -> memref<200x128xf32, #tpu.memory_space<vmem>>
    tpu.enqueue_dma source(%dma_start3A_171 : memref<200x128xf32, #tpu.memory_space<vmem>>) target(%dma_start3A_167 : memref<200x128xf32, #tpu.memory_space<hbm>>) target_semaphore(%arg10 : memref<!tpu.dma_semaphore, #tpu.memory_space<semaphore_mem>>)
    %add3A_172 = arith.constant 600 : i32
    %add3A_173 = arith.addi %mul3A_2, %add3A_172 : i32
    %dma_start3A_174 = arith.constant 3 : i32
    %dma_start3A_175 = arith.constant 0 : i32
    %dma_start3A_176 = arith.constant 0 : i32
    %dma_start3A_177 = tpu.memref_slice %arg6[%dma_start3A_174, %dma_start3A_175, %dma_start3A_176] : memref<4x200x128xf32, #tpu.memory_space<vmem>> -> memref<1x200x128xf32, #tpu.memory_space<vmem>>
    %dma_start3A_178 = tpu.memref_squeeze %dma_start3A_177 : memref<1x200x128xf32, #tpu.memory_space<vmem>> -> memref<200x128xf32, #tpu.memory_space<vmem>>
    %dma_start3A_179 = arith.constant 0 : i32
    %dma_start3A_180 = tpu.memref_slice %arg4[%add3A_173, %dma_start3A_179] : memref<819200x128xf32, #tpu.memory_space<hbm>> -> memref<200x128xf32, #tpu.memory_space<hbm>>
    %dma_start3A_181 = arith.constant 0 : i32
    %dma_start3A_182 = tpu.memref_slice %arg4[%add3A_173, %dma_start3A_181] : memref<819200x128xf32, #tpu.memory_space<hbm>> -> memref<200x128xf32, #tpu.memory_space<hbm>>
    %dma_start3A_183 = arith.constant 0 : i32
    %dma_start3A_184 = arith.constant 0 : i32
    %dma_start3A_185 = tpu.memref_slice %arg6[%dma_start3A_174, %dma_start3A_183, %dma_start3A_184] : memref<4x200x128xf32, #tpu.memory_space<vmem>> -> memref<1x200x128xf32, #tpu.memory_space<vmem>>
    %dma_start3A_186 = tpu.memref_squeeze %dma_start3A_185 : memref<1x200x128xf32, #tpu.memory_space<vmem>> -> memref<200x128xf32, #tpu.memory_space<vmem>>
    tpu.enqueue_dma source(%dma_start3A_186 : memref<200x128xf32, #tpu.memory_space<vmem>>) target(%dma_start3A_182 : memref<200x128xf32, #tpu.memory_space<hbm>>) target_semaphore(%arg10 : memref<!tpu.dma_semaphore, #tpu.memory_space<semaphore_mem>>)
    %scan3A = arith.constant 0 : i32
    %scan3A_187 = arith.constant 1 : i32
    %scan3A_188 = arith.constant 30 : i32
    %scan3A_189 = arith.addi %scan3A_187, %scan3A_188 : i32
    %scan3A_190 = arith.constant 1 : i32
    scf.for %scan3A_390 = %scan3A_187 to %scan3A_189 step %scan3A_190  : i32 {
      %mul3A_391 = arith.constant 2 : i32
      %mul3A_392 = arith.muli %mul3A_391, %scan3A_390 : i32
      %dma_wait3A_393 = arith.constant 0 : i32
      %dma_wait3A_394 = arith.constant 0 : i32
      %dma_wait3A_395 = arith.constant 0 : i32
      %dma_wait3A_396 = tpu.memref_slice %arg6[%dma_wait3A_393, %dma_wait3A_394, %dma_wait3A_395] : memref<4x200x128xf32, #tpu.memory_space<vmem>> -> memref<1x200x128xf32, #tpu.memory_space<vmem>>
      %dma_wait3A_397 = tpu.memref_squeeze %dma_wait3A_396 : memref<1x200x128xf32, #tpu.memory_space<vmem>> -> memref<200x128xf32, #tpu.memory_space<vmem>>
      %dma_wait3A_398 = arith.constant 0 : i32
      %dma_wait3A_399 = tpu.memref_slice %arg5[%dma_wait3A_398] : memref<25600xi32, #tpu.memory_space<vmem>> -> memref<200xi32, #tpu.memory_space<vmem>>
      %dma_wait3A_400 = arith.constant 0 : i32
      %dma_wait3A_401 = arith.constant 0 : i32
      %dma_wait3A_402 = tpu.memref_slice %arg3[%dma_wait3A_400, %dma_wait3A_401] : memref<1000000x128xf32, #tpu.memory_space<hbm>> -> memref<1000000x128xf32, #tpu.memory_space<hbm>>
      tpu.wait_indirect_dma semaphore(%arg7 : memref<!tpu.dma_semaphore, #tpu.memory_space<semaphore_mem>>) src(%dma_wait3A_402 : memref<1000000x128xf32, #tpu.memory_space<hbm>>) dst(%dma_wait3A_397 : memref<200x128xf32, #tpu.memory_space<vmem>>)
      %dma_wait3A_403 = arith.constant 1 : i32
      %dma_wait3A_404 = arith.constant 0 : i32
      %dma_wait3A_405 = arith.constant 0 : i32
      %dma_wait3A_406 = tpu.memref_slice %arg6[%dma_wait3A_403, %dma_wait3A_404, %dma_wait3A_405] : memref<4x200x128xf32, #tpu.memory_space<vmem>> -> memref<1x200x128xf32, #tpu.memory_space<vmem>>
      %dma_wait3A_407 = tpu.memref_squeeze %dma_wait3A_406 : memref<1x200x128xf32, #tpu.memory_space<vmem>> -> memref<200x128xf32, #tpu.memory_space<vmem>>
      %dma_wait3A_408 = arith.constant 0 : i32
      %dma_wait3A_409 = tpu.memref_slice %arg5[%dma_wait3A_408] : memref<25600xi32, #tpu.memory_space<vmem>> -> memref<200xi32, #tpu.memory_space<vmem>>
      %dma_wait3A_410 = arith.constant 0 : i32
      %dma_wait3A_411 = arith.constant 0 : i32
      %dma_wait3A_412 = tpu.memref_slice %arg3[%dma_wait3A_410, %dma_wait3A_411] : memref<1000000x128xf32, #tpu.memory_space<hbm>> -> memref<1000000x128xf32, #tpu.memory_space<hbm>>
      tpu.wait_indirect_dma semaphore(%arg7 : memref<!tpu.dma_semaphore, #tpu.memory_space<semaphore_mem>>) src(%dma_wait3A_412 : memref<1000000x128xf32, #tpu.memory_space<hbm>>) dst(%dma_wait3A_407 : memref<200x128xf32, #tpu.memory_space<vmem>>)
      %dma_wait3A_413 = arith.constant 2 : i32
      %dma_wait3A_414 = arith.constant 0 : i32
      %dma_wait3A_415 = arith.constant 0 : i32
      %dma_wait3A_416 = tpu.memref_slice %arg6[%dma_wait3A_413, %dma_wait3A_414, %dma_wait3A_415] : memref<4x200x128xf32, #tpu.memory_space<vmem>> -> memref<1x200x128xf32, #tpu.memory_space<vmem>>
      %dma_wait3A_417 = tpu.memref_squeeze %dma_wait3A_416 : memref<1x200x128xf32, #tpu.memory_space<vmem>> -> memref<200x128xf32, #tpu.memory_space<vmem>>
      %dma_wait3A_418 = arith.constant 0 : i32
      %dma_wait3A_419 = tpu.memref_slice %arg4[%mul3A_2, %dma_wait3A_418] : memref<819200x128xf32, #tpu.memory_space<hbm>> -> memref<200x128xf32, #tpu.memory_space<hbm>>
      %dma_wait3A_420 = arith.constant 0 : i32
      %dma_wait3A_421 = tpu.memref_slice %arg4[%mul3A_2, %dma_wait3A_420] : memref<819200x128xf32, #tpu.memory_space<hbm>> -> memref<200x128xf32, #tpu.memory_space<hbm>>
      %dma_wait3A_422 = arith.constant 0 : i32
      %dma_wait3A_423 = arith.constant 0 : i32
      %dma_wait3A_424 = tpu.memref_slice %arg6[%dma_wait3A_413, %dma_wait3A_422, %dma_wait3A_423] : memref<4x200x128xf32, #tpu.memory_space<vmem>> -> memref<1x200x128xf32, #tpu.memory_space<vmem>>
      %dma_wait3A_425 = tpu.memref_squeeze %dma_wait3A_424 : memref<1x200x128xf32, #tpu.memory_space<vmem>> -> memref<200x128xf32, #tpu.memory_space<vmem>>
      tpu.wait_dma2 semaphore(%arg10 : memref<!tpu.dma_semaphore, #tpu.memory_space<semaphore_mem>>) src(%dma_wait3A_425 : memref<200x128xf32, #tpu.memory_space<vmem>>) dst(%dma_wait3A_421 : memref<200x128xf32, #tpu.memory_space<hbm>>)
      %dma_wait3A_426 = arith.constant 3 : i32
      %dma_wait3A_427 = arith.constant 0 : i32
      %dma_wait3A_428 = arith.constant 0 : i32
      %dma_wait3A_429 = tpu.memref_slice %arg6[%dma_wait3A_426, %dma_wait3A_427, %dma_wait3A_428] : memref<4x200x128xf32, #tpu.memory_space<vmem>> -> memref<1x200x128xf32, #tpu.memory_space<vmem>>
      %dma_wait3A_430 = tpu.memref_squeeze %dma_wait3A_429 : memref<1x200x128xf32, #tpu.memory_space<vmem>> -> memref<200x128xf32, #tpu.memory_space<vmem>>
      %dma_wait3A_431 = arith.constant 0 : i32
      %dma_wait3A_432 = tpu.memref_slice %arg4[%mul3A_2, %dma_wait3A_431] : memref<819200x128xf32, #tpu.memory_space<hbm>> -> memref<200x128xf32, #tpu.memory_space<hbm>>
      %dma_wait3A_433 = arith.constant 0 : i32
      %dma_wait3A_434 = tpu.memref_slice %arg4[%mul3A_2, %dma_wait3A_433] : memref<819200x128xf32, #tpu.memory_space<hbm>> -> memref<200x128xf32, #tpu.memory_space<hbm>>
      %dma_wait3A_435 = arith.constant 0 : i32
      %dma_wait3A_436 = arith.constant 0 : i32
      %dma_wait3A_437 = tpu.memref_slice %arg6[%dma_wait3A_426, %dma_wait3A_435, %dma_wait3A_436] : memref<4x200x128xf32, #tpu.memory_space<vmem>> -> memref<1x200x128xf32, #tpu.memory_space<vmem>>
      %dma_wait3A_438 = tpu.memref_squeeze %dma_wait3A_437 : memref<1x200x128xf32, #tpu.memory_space<vmem>> -> memref<200x128xf32, #tpu.memory_space<vmem>>
      tpu.wait_dma2 semaphore(%arg10 : memref<!tpu.dma_semaphore, #tpu.memory_space<semaphore_mem>>) src(%dma_wait3A_438 : memref<200x128xf32, #tpu.memory_space<vmem>>) dst(%dma_wait3A_434 : memref<200x128xf32, #tpu.memory_space<hbm>>)
      %add3A_439 = arith.constant 1 : i32
      %add3A_440 = arith.addi %mul3A_392, %add3A_439 : i32
      %mul3A_441 = arith.constant 2 : i32
      %mul3A_442 = arith.muli %add3A_440, %mul3A_441 : i32
      %add3A_443 = arith.constant 0 : i32
      %add3A_444 = arith.addi %mul3A_442, %add3A_443 : i32
      %mul3A_445 = arith.constant 200 : i32
      %mul3A_446 = arith.muli %add3A_444, %mul3A_445 : i32
      %dma_start3A_447 = arith.constant 2 : i32
      %dma_start3A_448 = arith.constant 0 : i32
      %dma_start3A_449 = arith.constant 0 : i32
      %dma_start3A_450 = tpu.memref_slice %arg6[%dma_start3A_447, %dma_start3A_448, %dma_start3A_449] : memref<4x200x128xf32, #tpu.memory_space<vmem>> -> memref<1x200x128xf32, #tpu.memory_space<vmem>>
      %dma_start3A_451 = tpu.memref_squeeze %dma_start3A_450 : memref<1x200x128xf32, #tpu.memory_space<vmem>> -> memref<200x128xf32, #tpu.memory_space<vmem>>
      %dma_start3A_452 = tpu.memref_slice %arg5[%mul3A_446] : memref<25600xi32, #tpu.memory_space<vmem>> -> memref<200xi32, #tpu.memory_space<vmem>>
      %dma_start3A_453 = arith.constant 0 : i32
      %dma_start3A_454 = arith.constant 0 : i32
      %dma_start3A_455 = tpu.memref_slice %arg3[%dma_start3A_453, %dma_start3A_454] : memref<1000000x128xf32, #tpu.memory_space<hbm>> -> memref<1000000x128xf32, #tpu.memory_space<hbm>>
      tpu.enqueue_indirect_dma source(%dma_start3A_455 : memref<1000000x128xf32, #tpu.memory_space<hbm>>) target(%dma_start3A_451 : memref<200x128xf32, #tpu.memory_space<vmem>>) offsets(%dma_start3A_452 : memref<200xi32, #tpu.memory_space<vmem>>) semaphore(%arg8 : memref<!tpu.dma_semaphore, #tpu.memory_space<semaphore_mem>>)
      %mul3A_456 = arith.constant 2 : i32
      %mul3A_457 = arith.muli %add3A_440, %mul3A_456 : i32
      %add3A_458 = arith.constant 1 : i32
      %add3A_459 = arith.addi %mul3A_457, %add3A_458 : i32
      %mul3A_460 = arith.constant 200 : i32
      %mul3A_461 = arith.muli %add3A_459, %mul3A_460 : i32
      %dma_start3A_462 = arith.constant 3 : i32
      %dma_start3A_463 = arith.constant 0 : i32
      %dma_start3A_464 = arith.constant 0 : i32
      %dma_start3A_465 = tpu.memref_slice %arg6[%dma_start3A_462, %dma_start3A_463, %dma_start3A_464] : memref<4x200x128xf32, #tpu.memory_space<vmem>> -> memref<1x200x128xf32, #tpu.memory_space<vmem>>
      %dma_start3A_466 = tpu.memref_squeeze %dma_start3A_465 : memref<1x200x128xf32, #tpu.memory_space<vmem>> -> memref<200x128xf32, #tpu.memory_space<vmem>>
      %dma_start3A_467 = tpu.memref_slice %arg5[%mul3A_461] : memref<25600xi32, #tpu.memory_space<vmem>> -> memref<200xi32, #tpu.memory_space<vmem>>
      %dma_start3A_468 = arith.constant 0 : i32
      %dma_start3A_469 = arith.constant 0 : i32
      %dma_start3A_470 = tpu.memref_slice %arg3[%dma_start3A_468, %dma_start3A_469] : memref<1000000x128xf32, #tpu.memory_space<hbm>> -> memref<1000000x128xf32, #tpu.memory_space<hbm>>
      tpu.enqueue_indirect_dma source(%dma_start3A_470 : memref<1000000x128xf32, #tpu.memory_space<hbm>>) target(%dma_start3A_466 : memref<200x128xf32, #tpu.memory_space<vmem>>) offsets(%dma_start3A_467 : memref<200xi32, #tpu.memory_space<vmem>>) semaphore(%arg8 : memref<!tpu.dma_semaphore, #tpu.memory_space<semaphore_mem>>)
      %mul3A_471 = arith.constant 2 : i32
      %mul3A_472 = arith.muli %mul3A_392, %mul3A_471 : i32
      %add3A_473 = arith.constant 0 : i32
      %add3A_474 = arith.addi %mul3A_472, %add3A_473 : i32
      %mul3A_475 = arith.constant 200 : i32
      %mul3A_476 = arith.muli %add3A_474, %mul3A_475 : i32
      %add3A_477 = arith.addi %mul3A_2, %mul3A_476 : i32
      %dma_start3A_478 = arith.constant 0 : i32
      %dma_start3A_479 = arith.constant 0 : i32
      %dma_start3A_480 = arith.constant 0 : i32
      %dma_start3A_481 = tpu.memref_slice %arg6[%dma_start3A_478, %dma_start3A_479, %dma_start3A_480] : memref<4x200x128xf32, #tpu.memory_space<vmem>> -> memref<1x200x128xf32, #tpu.memory_space<vmem>>
      %dma_start3A_482 = tpu.memref_squeeze %dma_start3A_481 : memref<1x200x128xf32, #tpu.memory_space<vmem>> -> memref<200x128xf32, #tpu.memory_space<vmem>>
      %dma_start3A_483 = arith.constant 0 : i32
      %dma_start3A_484 = tpu.memref_slice %arg4[%add3A_477, %dma_start3A_483] : memref<819200x128xf32, #tpu.memory_space<hbm>> -> memref<200x128xf32, #tpu.memory_space<hbm>>
      %dma_start3A_485 = arith.constant 0 : i32
      %dma_start3A_486 = tpu.memref_slice %arg4[%add3A_477, %dma_start3A_485] : memref<819200x128xf32, #tpu.memory_space<hbm>> -> memref<200x128xf32, #tpu.memory_space<hbm>>
      %dma_start3A_487 = arith.constant 0 : i32
      %dma_start3A_488 = arith.constant 0 : i32
      %dma_start3A_489 = tpu.memref_slice %arg6[%dma_start3A_478, %dma_start3A_487, %dma_start3A_488] : memref<4x200x128xf32, #tpu.memory_space<vmem>> -> memref<1x200x128xf32, #tpu.memory_space<vmem>>
      %dma_start3A_490 = tpu.memref_squeeze %dma_start3A_489 : memref<1x200x128xf32, #tpu.memory_space<vmem>> -> memref<200x128xf32, #tpu.memory_space<vmem>>
      tpu.enqueue_dma source(%dma_start3A_490 : memref<200x128xf32, #tpu.memory_space<vmem>>) target(%dma_start3A_486 : memref<200x128xf32, #tpu.memory_space<hbm>>) target_semaphore(%arg9 : memref<!tpu.dma_semaphore, #tpu.memory_space<semaphore_mem>>)
      %mul3A_491 = arith.constant 2 : i32
      %mul3A_492 = arith.muli %mul3A_392, %mul3A_491 : i32
      %add3A_493 = arith.constant 1 : i32
      %add3A_494 = arith.addi %mul3A_492, %add3A_493 : i32
      %mul3A_495 = arith.constant 200 : i32
      %mul3A_496 = arith.muli %add3A_494, %mul3A_495 : i32
      %add3A_497 = arith.addi %mul3A_2, %mul3A_496 : i32
      %dma_start3A_498 = arith.constant 1 : i32
      %dma_start3A_499 = arith.constant 0 : i32
      %dma_start3A_500 = arith.constant 0 : i32
      %dma_start3A_501 = tpu.memref_slice %arg6[%dma_start3A_498, %dma_start3A_499, %dma_start3A_500] : memref<4x200x128xf32, #tpu.memory_space<vmem>> -> memref<1x200x128xf32, #tpu.memory_space<vmem>>
      %dma_start3A_502 = tpu.memref_squeeze %dma_start3A_501 : memref<1x200x128xf32, #tpu.memory_space<vmem>> -> memref<200x128xf32, #tpu.memory_space<vmem>>
      %dma_start3A_503 = arith.constant 0 : i32
      %dma_start3A_504 = tpu.memref_slice %arg4[%add3A_497, %dma_start3A_503] : memref<819200x128xf32, #tpu.memory_space<hbm>> -> memref<200x128xf32, #tpu.memory_space<hbm>>
      %dma_start3A_505 = arith.constant 0 : i32
      %dma_start3A_506 = tpu.memref_slice %arg4[%add3A_497, %dma_start3A_505] : memref<819200x128xf32, #tpu.memory_space<hbm>> -> memref<200x128xf32, #tpu.memory_space<hbm>>
      %dma_start3A_507 = arith.constant 0 : i32
      %dma_start3A_508 = arith.constant 0 : i32
      %dma_start3A_509 = tpu.memref_slice %arg6[%dma_start3A_498, %dma_start3A_507, %dma_start3A_508] : memref<4x200x128xf32, #tpu.memory_space<vmem>> -> memref<1x200x128xf32, #tpu.memory_space<vmem>>
      %dma_start3A_510 = tpu.memref_squeeze %dma_start3A_509 : memref<1x200x128xf32, #tpu.memory_space<vmem>> -> memref<200x128xf32, #tpu.memory_space<vmem>>
      tpu.enqueue_dma source(%dma_start3A_510 : memref<200x128xf32, #tpu.memory_space<vmem>>) target(%dma_start3A_506 : memref<200x128xf32, #tpu.memory_space<hbm>>) target_semaphore(%arg9 : memref<!tpu.dma_semaphore, #tpu.memory_space<semaphore_mem>>)
      %mul3A_511 = arith.constant 2 : i32
      %mul3A_512 = arith.muli %mul3A_511, %scan3A_390 : i32
      %add3A_513 = arith.constant 1 : i32
      %add3A_514 = arith.addi %mul3A_512, %add3A_513 : i32
      %dma_wait3A_515 = arith.constant 2 : i32
      %dma_wait3A_516 = arith.constant 0 : i32
      %dma_wait3A_517 = arith.constant 0 : i32
      %dma_wait3A_518 = tpu.memref_slice %arg6[%dma_wait3A_515, %dma_wait3A_516, %dma_wait3A_517] : memref<4x200x128xf32, #tpu.memory_space<vmem>> -> memref<1x200x128xf32, #tpu.memory_space<vmem>>
      %dma_wait3A_519 = tpu.memref_squeeze %dma_wait3A_518 : memref<1x200x128xf32, #tpu.memory_space<vmem>> -> memref<200x128xf32, #tpu.memory_space<vmem>>
      %dma_wait3A_520 = arith.constant 0 : i32
      %dma_wait3A_521 = tpu.memref_slice %arg5[%dma_wait3A_520] : memref<25600xi32, #tpu.memory_space<vmem>> -> memref<200xi32, #tpu.memory_space<vmem>>
      %dma_wait3A_522 = arith.constant 0 : i32
      %dma_wait3A_523 = arith.constant 0 : i32
      %dma_wait3A_524 = tpu.memref_slice %arg3[%dma_wait3A_522, %dma_wait3A_523] : memref<1000000x128xf32, #tpu.memory_space<hbm>> -> memref<1000000x128xf32, #tpu.memory_space<hbm>>
      tpu.wait_indirect_dma semaphore(%arg8 : memref<!tpu.dma_semaphore, #tpu.memory_space<semaphore_mem>>) src(%dma_wait3A_524 : memref<1000000x128xf32, #tpu.memory_space<hbm>>) dst(%dma_wait3A_519 : memref<200x128xf32, #tpu.memory_space<vmem>>)
      %dma_wait3A_525 = arith.constant 3 : i32
      %dma_wait3A_526 = arith.constant 0 : i32
      %dma_wait3A_527 = arith.constant 0 : i32
      %dma_wait3A_528 = tpu.memref_slice %arg6[%dma_wait3A_525, %dma_wait3A_526, %dma_wait3A_527] : memref<4x200x128xf32, #tpu.memory_space<vmem>> -> memref<1x200x128xf32, #tpu.memory_space<vmem>>
      %dma_wait3A_529 = tpu.memref_squeeze %dma_wait3A_528 : memref<1x200x128xf32, #tpu.memory_space<vmem>> -> memref<200x128xf32, #tpu.memory_space<vmem>>
      %dma_wait3A_530 = arith.constant 0 : i32
      %dma_wait3A_531 = tpu.memref_slice %arg5[%dma_wait3A_530] : memref<25600xi32, #tpu.memory_space<vmem>> -> memref<200xi32, #tpu.memory_space<vmem>>
      %dma_wait3A_532 = arith.constant 0 : i32
      %dma_wait3A_533 = arith.constant 0 : i32
      %dma_wait3A_534 = tpu.memref_slice %arg3[%dma_wait3A_532, %dma_wait3A_533] : memref<1000000x128xf32, #tpu.memory_space<hbm>> -> memref<1000000x128xf32, #tpu.memory_space<hbm>>
      tpu.wait_indirect_dma semaphore(%arg8 : memref<!tpu.dma_semaphore, #tpu.memory_space<semaphore_mem>>) src(%dma_wait3A_534 : memref<1000000x128xf32, #tpu.memory_space<hbm>>) dst(%dma_wait3A_529 : memref<200x128xf32, #tpu.memory_space<vmem>>)
      %dma_wait3A_535 = arith.constant 0 : i32
      %dma_wait3A_536 = arith.constant 0 : i32
      %dma_wait3A_537 = arith.constant 0 : i32
      %dma_wait3A_538 = tpu.memref_slice %arg6[%dma_wait3A_535, %dma_wait3A_536, %dma_wait3A_537] : memref<4x200x128xf32, #tpu.memory_space<vmem>> -> memref<1x200x128xf32, #tpu.memory_space<vmem>>
      %dma_wait3A_539 = tpu.memref_squeeze %dma_wait3A_538 : memref<1x200x128xf32, #tpu.memory_space<vmem>> -> memref<200x128xf32, #tpu.memory_space<vmem>>
      %dma_wait3A_540 = arith.constant 0 : i32
      %dma_wait3A_541 = tpu.memref_slice %arg4[%mul3A_2, %dma_wait3A_540] : memref<819200x128xf32, #tpu.memory_space<hbm>> -> memref<200x128xf32, #tpu.memory_space<hbm>>
      %dma_wait3A_542 = arith.constant 0 : i32
      %dma_wait3A_543 = tpu.memref_slice %arg4[%mul3A_2, %dma_wait3A_542] : memref<819200x128xf32, #tpu.memory_space<hbm>> -> memref<200x128xf32, #tpu.memory_space<hbm>>
      %dma_wait3A_544 = arith.constant 0 : i32
      %dma_wait3A_545 = arith.constant 0 : i32
      %dma_wait3A_546 = tpu.memref_slice %arg6[%dma_wait3A_535, %dma_wait3A_544, %dma_wait3A_545] : memref<4x200x128xf32, #tpu.memory_space<vmem>> -> memref<1x200x128xf32, #tpu.memory_space<vmem>>
      %dma_wait3A_547 = tpu.memref_squeeze %dma_wait3A_546 : memref<1x200x128xf32, #tpu.memory_space<vmem>> -> memref<200x128xf32, #tpu.memory_space<vmem>>
      tpu.wait_dma2 semaphore(%arg9 : memref<!tpu.dma_semaphore, #tpu.memory_space<semaphore_mem>>) src(%dma_wait3A_547 : memref<200x128xf32, #tpu.memory_space<vmem>>) dst(%dma_wait3A_543 : memref<200x128xf32, #tpu.memory_space<hbm>>)
      %dma_wait3A_548 = arith.constant 1 : i32
      %dma_wait3A_549 = arith.constant 0 : i32
      %dma_wait3A_550 = arith.constant 0 : i32
      %dma_wait3A_551 = tpu.memref_slice %arg6[%dma_wait3A_548, %dma_wait3A_549, %dma_wait3A_550] : memref<4x200x128xf32, #tpu.memory_space<vmem>> -> memref<1x200x128xf32, #tpu.memory_space<vmem>>
      %dma_wait3A_552 = tpu.memref_squeeze %dma_wait3A_551 : memref<1x200x128xf32, #tpu.memory_space<vmem>> -> memref<200x128xf32, #tpu.memory_space<vmem>>
      %dma_wait3A_553 = arith.constant 0 : i32
      %dma_wait3A_554 = tpu.memref_slice %arg4[%mul3A_2, %dma_wait3A_553] : memref<819200x128xf32, #tpu.memory_space<hbm>> -> memref<200x128xf32, #tpu.memory_space<hbm>>
      %dma_wait3A_555 = arith.constant 0 : i32
      %dma_wait3A_556 = tpu.memref_slice %arg4[%mul3A_2, %dma_wait3A_555] : memref<819200x128xf32, #tpu.memory_space<hbm>> -> memref<200x128xf32, #tpu.memory_space<hbm>>
      %dma_wait3A_557 = arith.constant 0 : i32
      %dma_wait3A_558 = arith.constant 0 : i32
      %dma_wait3A_559 = tpu.memref_slice %arg6[%dma_wait3A_548, %dma_wait3A_557, %dma_wait3A_558] : memref<4x200x128xf32, #tpu.memory_space<vmem>> -> memref<1x200x128xf32, #tpu.memory_space<vmem>>
      %dma_wait3A_560 = tpu.memref_squeeze %dma_wait3A_559 : memref<1x200x128xf32, #tpu.memory_space<vmem>> -> memref<200x128xf32, #tpu.memory_space<vmem>>
      tpu.wait_dma2 semaphore(%arg9 : memref<!tpu.dma_semaphore, #tpu.memory_space<semaphore_mem>>) src(%dma_wait3A_560 : memref<200x128xf32, #tpu.memory_space<vmem>>) dst(%dma_wait3A_556 : memref<200x128xf32, #tpu.memory_space<hbm>>)
      %add3A_561 = arith.constant 1 : i32
      %add3A_562 = arith.addi %add3A_514, %add3A_561 : i32
      %mul3A_563 = arith.constant 2 : i32
      %mul3A_564 = arith.muli %add3A_562, %mul3A_563 : i32
      %add3A_565 = arith.constant 0 : i32
      %add3A_566 = arith.addi %mul3A_564, %add3A_565 : i32
      %mul3A_567 = arith.constant 200 : i32
      %mul3A_568 = arith.muli %add3A_566, %mul3A_567 : i32
      %dma_start3A_569 = arith.constant 0 : i32
      %dma_start3A_570 = arith.constant 0 : i32
      %dma_start3A_571 = arith.constant 0 : i32
      %dma_start3A_572 = tpu.memref_slice %arg6[%dma_start3A_569, %dma_start3A_570, %dma_start3A_571] : memref<4x200x128xf32, #tpu.memory_space<vmem>> -> memref<1x200x128xf32, #tpu.memory_space<vmem>>
      %dma_start3A_573 = tpu.memref_squeeze %dma_start3A_572 : memref<1x200x128xf32, #tpu.memory_space<vmem>> -> memref<200x128xf32, #tpu.memory_space<vmem>>
      %dma_start3A_574 = tpu.memref_slice %arg5[%mul3A_568] : memref<25600xi32, #tpu.memory_space<vmem>> -> memref<200xi32, #tpu.memory_space<vmem>>
      %dma_start3A_575 = arith.constant 0 : i32
      %dma_start3A_576 = arith.constant 0 : i32
      %dma_start3A_577 = tpu.memref_slice %arg3[%dma_start3A_575, %dma_start3A_576] : memref<1000000x128xf32, #tpu.memory_space<hbm>> -> memref<1000000x128xf32, #tpu.memory_space<hbm>>
      tpu.enqueue_indirect_dma source(%dma_start3A_577 : memref<1000000x128xf32, #tpu.memory_space<hbm>>) target(%dma_start3A_573 : memref<200x128xf32, #tpu.memory_space<vmem>>) offsets(%dma_start3A_574 : memref<200xi32, #tpu.memory_space<vmem>>) semaphore(%arg7 : memref<!tpu.dma_semaphore, #tpu.memory_space<semaphore_mem>>)
      %mul3A_578 = arith.constant 2 : i32
      %mul3A_579 = arith.muli %add3A_562, %mul3A_578 : i32
      %add3A_580 = arith.constant 1 : i32
      %add3A_581 = arith.addi %mul3A_579, %add3A_580 : i32
      %mul3A_582 = arith.constant 200 : i32
      %mul3A_583 = arith.muli %add3A_581, %mul3A_582 : i32
      %dma_start3A_584 = arith.constant 1 : i32
      %dma_start3A_585 = arith.constant 0 : i32
      %dma_start3A_586 = arith.constant 0 : i32
      %dma_start3A_587 = tpu.memref_slice %arg6[%dma_start3A_584, %dma_start3A_585, %dma_start3A_586] : memref<4x200x128xf32, #tpu.memory_space<vmem>> -> memref<1x200x128xf32, #tpu.memory_space<vmem>>
      %dma_start3A_588 = tpu.memref_squeeze %dma_start3A_587 : memref<1x200x128xf32, #tpu.memory_space<vmem>> -> memref<200x128xf32, #tpu.memory_space<vmem>>
      %dma_start3A_589 = tpu.memref_slice %arg5[%mul3A_583] : memref<25600xi32, #tpu.memory_space<vmem>> -> memref<200xi32, #tpu.memory_space<vmem>>
      %dma_start3A_590 = arith.constant 0 : i32
      %dma_start3A_591 = arith.constant 0 : i32
      %dma_start3A_592 = tpu.memref_slice %arg3[%dma_start3A_590, %dma_start3A_591] : memref<1000000x128xf32, #tpu.memory_space<hbm>> -> memref<1000000x128xf32, #tpu.memory_space<hbm>>
      tpu.enqueue_indirect_dma source(%dma_start3A_592 : memref<1000000x128xf32, #tpu.memory_space<hbm>>) target(%dma_start3A_588 : memref<200x128xf32, #tpu.memory_space<vmem>>) offsets(%dma_start3A_589 : memref<200xi32, #tpu.memory_space<vmem>>) semaphore(%arg7 : memref<!tpu.dma_semaphore, #tpu.memory_space<semaphore_mem>>)
      %mul3A_593 = arith.constant 2 : i32
      %mul3A_594 = arith.muli %add3A_514, %mul3A_593 : i32
      %add3A_595 = arith.constant 0 : i32
      %add3A_596 = arith.addi %mul3A_594, %add3A_595 : i32
      %mul3A_597 = arith.constant 200 : i32
      %mul3A_598 = arith.muli %add3A_596, %mul3A_597 : i32
      %add3A_599 = arith.addi %mul3A_2, %mul3A_598 : i32
      %dma_start3A_600 = arith.constant 2 : i32
      %dma_start3A_601 = arith.constant 0 : i32
      %dma_start3A_602 = arith.constant 0 : i32
      %dma_start3A_603 = tpu.memref_slice %arg6[%dma_start3A_600, %dma_start3A_601, %dma_start3A_602] : memref<4x200x128xf32, #tpu.memory_space<vmem>> -> memref<1x200x128xf32, #tpu.memory_space<vmem>>
      %dma_start3A_604 = tpu.memref_squeeze %dma_start3A_603 : memref<1x200x128xf32, #tpu.memory_space<vmem>> -> memref<200x128xf32, #tpu.memory_space<vmem>>
      %dma_start3A_605 = arith.constant 0 : i32
      %dma_start3A_606 = tpu.memref_slice %arg4[%add3A_599, %dma_start3A_605] : memref<819200x128xf32, #tpu.memory_space<hbm>> -> memref<200x128xf32, #tpu.memory_space<hbm>>
      %dma_start3A_607 = arith.constant 0 : i32
      %dma_start3A_608 = tpu.memref_slice %arg4[%add3A_599, %dma_start3A_607] : memref<819200x128xf32, #tpu.memory_space<hbm>> -> memref<200x128xf32, #tpu.memory_space<hbm>>
      %dma_start3A_609 = arith.constant 0 : i32
      %dma_start3A_610 = arith.constant 0 : i32
      %dma_start3A_611 = tpu.memref_slice %arg6[%dma_start3A_600, %dma_start3A_609, %dma_start3A_610] : memref<4x200x128xf32, #tpu.memory_space<vmem>> -> memref<1x200x128xf32, #tpu.memory_space<vmem>>
      %dma_start3A_612 = tpu.memref_squeeze %dma_start3A_611 : memref<1x200x128xf32, #tpu.memory_space<vmem>> -> memref<200x128xf32, #tpu.memory_space<vmem>>
      tpu.enqueue_dma source(%dma_start3A_612 : memref<200x128xf32, #tpu.memory_space<vmem>>) target(%dma_start3A_608 : memref<200x128xf32, #tpu.memory_space<hbm>>) target_semaphore(%arg10 : memref<!tpu.dma_semaphore, #tpu.memory_space<semaphore_mem>>)
      %mul3A_613 = arith.constant 2 : i32
      %mul3A_614 = arith.muli %add3A_514, %mul3A_613 : i32
      %add3A_615 = arith.constant 1 : i32
      %add3A_616 = arith.addi %mul3A_614, %add3A_615 : i32
      %mul3A_617 = arith.constant 200 : i32
      %mul3A_618 = arith.muli %add3A_616, %mul3A_617 : i32
      %add3A_619 = arith.addi %mul3A_2, %mul3A_618 : i32
      %dma_start3A_620 = arith.constant 3 : i32
      %dma_start3A_621 = arith.constant 0 : i32
      %dma_start3A_622 = arith.constant 0 : i32
      %dma_start3A_623 = tpu.memref_slice %arg6[%dma_start3A_620, %dma_start3A_621, %dma_start3A_622] : memref<4x200x128xf32, #tpu.memory_space<vmem>> -> memref<1x200x128xf32, #tpu.memory_space<vmem>>
      %dma_start3A_624 = tpu.memref_squeeze %dma_start3A_623 : memref<1x200x128xf32, #tpu.memory_space<vmem>> -> memref<200x128xf32, #tpu.memory_space<vmem>>
      %dma_start3A_625 = arith.constant 0 : i32
      %dma_start3A_626 = tpu.memref_slice %arg4[%add3A_619, %dma_start3A_625] : memref<819200x128xf32, #tpu.memory_space<hbm>> -> memref<200x128xf32, #tpu.memory_space<hbm>>
      %dma_start3A_627 = arith.constant 0 : i32
      %dma_start3A_628 = tpu.memref_slice %arg4[%add3A_619, %dma_start3A_627] : memref<819200x128xf32, #tpu.memory_space<hbm>> -> memref<200x128xf32, #tpu.memory_space<hbm>>
      %dma_start3A_629 = arith.constant 0 : i32
      %dma_start3A_630 = arith.constant 0 : i32
      %dma_start3A_631 = tpu.memref_slice %arg6[%dma_start3A_620, %dma_start3A_629, %dma_start3A_630] : memref<4x200x128xf32, #tpu.memory_space<vmem>> -> memref<1x200x128xf32, #tpu.memory_space<vmem>>
      %dma_start3A_632 = tpu.memref_squeeze %dma_start3A_631 : memref<1x200x128xf32, #tpu.memory_space<vmem>> -> memref<200x128xf32, #tpu.memory_space<vmem>>
      tpu.enqueue_dma source(%dma_start3A_632 : memref<200x128xf32, #tpu.memory_space<vmem>>) target(%dma_start3A_628 : memref<200x128xf32, #tpu.memory_space<hbm>>) target_semaphore(%arg10 : memref<!tpu.dma_semaphore, #tpu.memory_space<semaphore_mem>>)
    }
    %scan3A_191 = arith.constant 30 : i32
    %dma_wait3A_192 = arith.constant 0 : i32
    %dma_wait3A_193 = arith.constant 0 : i32
    %dma_wait3A_194 = arith.constant 0 : i32
    %dma_wait3A_195 = tpu.memref_slice %arg6[%dma_wait3A_192, %dma_wait3A_193, %dma_wait3A_194] : memref<4x200x128xf32, #tpu.memory_space<vmem>> -> memref<1x200x128xf32, #tpu.memory_space<vmem>>
    %dma_wait3A_196 = tpu.memref_squeeze %dma_wait3A_195 : memref<1x200x128xf32, #tpu.memory_space<vmem>> -> memref<200x128xf32, #tpu.memory_space<vmem>>
    %dma_wait3A_197 = arith.constant 0 : i32
    %dma_wait3A_198 = tpu.memref_slice %arg5[%dma_wait3A_197] : memref<25600xi32, #tpu.memory_space<vmem>> -> memref<200xi32, #tpu.memory_space<vmem>>
    %dma_wait3A_199 = arith.constant 0 : i32
    %dma_wait3A_200 = arith.constant 0 : i32
    %dma_wait3A_201 = tpu.memref_slice %arg3[%dma_wait3A_199, %dma_wait3A_200] : memref<1000000x128xf32, #tpu.memory_space<hbm>> -> memref<1000000x128xf32, #tpu.memory_space<hbm>>
    tpu.wait_indirect_dma semaphore(%arg7 : memref<!tpu.dma_semaphore, #tpu.memory_space<semaphore_mem>>) src(%dma_wait3A_201 : memref<1000000x128xf32, #tpu.memory_space<hbm>>) dst(%dma_wait3A_196 : memref<200x128xf32, #tpu.memory_space<vmem>>)
    %dma_wait3A_202 = arith.constant 1 : i32
    %dma_wait3A_203 = arith.constant 0 : i32
    %dma_wait3A_204 = arith.constant 0 : i32
    %dma_wait3A_205 = tpu.memref_slice %arg6[%dma_wait3A_202, %dma_wait3A_203, %dma_wait3A_204] : memref<4x200x128xf32, #tpu.memory_space<vmem>> -> memref<1x200x128xf32, #tpu.memory_space<vmem>>
    %dma_wait3A_206 = tpu.memref_squeeze %dma_wait3A_205 : memref<1x200x128xf32, #tpu.memory_space<vmem>> -> memref<200x128xf32, #tpu.memory_space<vmem>>
    %dma_wait3A_207 = arith.constant 0 : i32
    %dma_wait3A_208 = tpu.memref_slice %arg5[%dma_wait3A_207] : memref<25600xi32, #tpu.memory_space<vmem>> -> memref<200xi32, #tpu.memory_space<vmem>>
    %dma_wait3A_209 = arith.constant 0 : i32
    %dma_wait3A_210 = arith.constant 0 : i32
    %dma_wait3A_211 = tpu.memref_slice %arg3[%dma_wait3A_209, %dma_wait3A_210] : memref<1000000x128xf32, #tpu.memory_space<hbm>> -> memref<1000000x128xf32, #tpu.memory_space<hbm>>
    tpu.wait_indirect_dma semaphore(%arg7 : memref<!tpu.dma_semaphore, #tpu.memory_space<semaphore_mem>>) src(%dma_wait3A_211 : memref<1000000x128xf32, #tpu.memory_space<hbm>>) dst(%dma_wait3A_206 : memref<200x128xf32, #tpu.memory_space<vmem>>)
    %dma_wait3A_212 = arith.constant 2 : i32
    %dma_wait3A_213 = arith.constant 0 : i32
    %dma_wait3A_214 = arith.constant 0 : i32
    %dma_wait3A_215 = tpu.memref_slice %arg6[%dma_wait3A_212, %dma_wait3A_213, %dma_wait3A_214] : memref<4x200x128xf32, #tpu.memory_space<vmem>> -> memref<1x200x128xf32, #tpu.memory_space<vmem>>
    %dma_wait3A_216 = tpu.memref_squeeze %dma_wait3A_215 : memref<1x200x128xf32, #tpu.memory_space<vmem>> -> memref<200x128xf32, #tpu.memory_space<vmem>>
    %dma_wait3A_217 = arith.constant 0 : i32
    %dma_wait3A_218 = tpu.memref_slice %arg4[%mul3A_2, %dma_wait3A_217] : memref<819200x128xf32, #tpu.memory_space<hbm>> -> memref<200x128xf32, #tpu.memory_space<hbm>>
    %dma_wait3A_219 = arith.constant 0 : i32
    %dma_wait3A_220 = tpu.memref_slice %arg4[%mul3A_2, %dma_wait3A_219] : memref<819200x128xf32, #tpu.memory_space<hbm>> -> memref<200x128xf32, #tpu.memory_space<hbm>>
    %dma_wait3A_221 = arith.constant 0 : i32
    %dma_wait3A_222 = arith.constant 0 : i32
    %dma_wait3A_223 = tpu.memref_slice %arg6[%dma_wait3A_212, %dma_wait3A_221, %dma_wait3A_222] : memref<4x200x128xf32, #tpu.memory_space<vmem>> -> memref<1x200x128xf32, #tpu.memory_space<vmem>>
    %dma_wait3A_224 = tpu.memref_squeeze %dma_wait3A_223 : memref<1x200x128xf32, #tpu.memory_space<vmem>> -> memref<200x128xf32, #tpu.memory_space<vmem>>
    tpu.wait_dma2 semaphore(%arg10 : memref<!tpu.dma_semaphore, #tpu.memory_space<semaphore_mem>>) src(%dma_wait3A_224 : memref<200x128xf32, #tpu.memory_space<vmem>>) dst(%dma_wait3A_220 : memref<200x128xf32, #tpu.memory_space<hbm>>)
    %dma_wait3A_225 = arith.constant 3 : i32
    %dma_wait3A_226 = arith.constant 0 : i32
    %dma_wait3A_227 = arith.constant 0 : i32
    %dma_wait3A_228 = tpu.memref_slice %arg6[%dma_wait3A_225, %dma_wait3A_226, %dma_wait3A_227] : memref<4x200x128xf32, #tpu.memory_space<vmem>> -> memref<1x200x128xf32, #tpu.memory_space<vmem>>
    %dma_wait3A_229 = tpu.memref_squeeze %dma_wait3A_228 : memref<1x200x128xf32, #tpu.memory_space<vmem>> -> memref<200x128xf32, #tpu.memory_space<vmem>>
    %dma_wait3A_230 = arith.constant 0 : i32
    %dma_wait3A_231 = tpu.memref_slice %arg4[%mul3A_2, %dma_wait3A_230] : memref<819200x128xf32, #tpu.memory_space<hbm>> -> memref<200x128xf32, #tpu.memory_space<hbm>>
    %dma_wait3A_232 = arith.constant 0 : i32
    %dma_wait3A_233 = tpu.memref_slice %arg4[%mul3A_2, %dma_wait3A_232] : memref<819200x128xf32, #tpu.memory_space<hbm>> -> memref<200x128xf32, #tpu.memory_space<hbm>>
    %dma_wait3A_234 = arith.constant 0 : i32
    %dma_wait3A_235 = arith.constant 0 : i32
    %dma_wait3A_236 = tpu.memref_slice %arg6[%dma_wait3A_225, %dma_wait3A_234, %dma_wait3A_235] : memref<4x200x128xf32, #tpu.memory_space<vmem>> -> memref<1x200x128xf32, #tpu.memory_space<vmem>>
    %dma_wait3A_237 = tpu.memref_squeeze %dma_wait3A_236 : memref<1x200x128xf32, #tpu.memory_space<vmem>> -> memref<200x128xf32, #tpu.memory_space<vmem>>
    tpu.wait_dma2 semaphore(%arg10 : memref<!tpu.dma_semaphore, #tpu.memory_space<semaphore_mem>>) src(%dma_wait3A_237 : memref<200x128xf32, #tpu.memory_space<vmem>>) dst(%dma_wait3A_233 : memref<200x128xf32, #tpu.memory_space<hbm>>)
    %dma_start3A_238 = arith.constant 2 : i32
    %dma_start3A_239 = arith.constant 0 : i32
    %dma_start3A_240 = arith.constant 0 : i32
    %dma_start3A_241 = tpu.memref_slice %arg6[%dma_start3A_238, %dma_start3A_239, %dma_start3A_240] : memref<4x200x128xf32, #tpu.memory_space<vmem>> -> memref<1x200x128xf32, #tpu.memory_space<vmem>>
    %dma_start3A_242 = tpu.memref_squeeze %dma_start3A_241 : memref<1x200x128xf32, #tpu.memory_space<vmem>> -> memref<200x128xf32, #tpu.memory_space<vmem>>
    %dma_start3A_243 = arith.constant 25200 : i32
    %dma_start3A_244 = tpu.memref_slice %arg5[%dma_start3A_243] : memref<25600xi32, #tpu.memory_space<vmem>> -> memref<200xi32, #tpu.memory_space<vmem>>
    %dma_start3A_245 = arith.constant 0 : i32
    %dma_start3A_246 = arith.constant 0 : i32
    %dma_start3A_247 = tpu.memref_slice %arg3[%dma_start3A_245, %dma_start3A_246] : memref<1000000x128xf32, #tpu.memory_space<hbm>> -> memref<1000000x128xf32, #tpu.memory_space<hbm>>
    tpu.enqueue_indirect_dma source(%dma_start3A_247 : memref<1000000x128xf32, #tpu.memory_space<hbm>>) target(%dma_start3A_242 : memref<200x128xf32, #tpu.memory_space<vmem>>) offsets(%dma_start3A_244 : memref<200xi32, #tpu.memory_space<vmem>>) semaphore(%arg8 : memref<!tpu.dma_semaphore, #tpu.memory_space<semaphore_mem>>)
    %dma_start3A_248 = arith.constant 3 : i32
    %dma_start3A_249 = arith.constant 0 : i32
    %dma_start3A_250 = arith.constant 0 : i32
    %dma_start3A_251 = tpu.memref_slice %arg6[%dma_start3A_248, %dma_start3A_249, %dma_start3A_250] : memref<4x200x128xf32, #tpu.memory_space<vmem>> -> memref<1x200x128xf32, #tpu.memory_space<vmem>>
    %dma_start3A_252 = tpu.memref_squeeze %dma_start3A_251 : memref<1x200x128xf32, #tpu.memory_space<vmem>> -> memref<200x128xf32, #tpu.memory_space<vmem>>
    %dma_start3A_253 = arith.constant 25400 : i32
    %dma_start3A_254 = tpu.memref_slice %arg5[%dma_start3A_253] : memref<25600xi32, #tpu.memory_space<vmem>> -> memref<200xi32, #tpu.memory_space<vmem>>
    %dma_start3A_255 = arith.constant 0 : i32
    %dma_start3A_256 = arith.constant 0 : i32
    %dma_start3A_257 = tpu.memref_slice %arg3[%dma_start3A_255, %dma_start3A_256] : memref<1000000x128xf32, #tpu.memory_space<hbm>> -> memref<1000000x128xf32, #tpu.memory_space<hbm>>
    tpu.enqueue_indirect_dma source(%dma_start3A_257 : memref<1000000x128xf32, #tpu.memory_space<hbm>>) target(%dma_start3A_252 : memref<200x128xf32, #tpu.memory_space<vmem>>) offsets(%dma_start3A_254 : memref<200xi32, #tpu.memory_space<vmem>>) semaphore(%arg8 : memref<!tpu.dma_semaphore, #tpu.memory_space<semaphore_mem>>)
    %add3A_258 = arith.constant 24800 : i32
    %add3A_259 = arith.addi %mul3A_2, %add3A_258 : i32
    %dma_start3A_260 = arith.constant 0 : i32
    %dma_start3A_261 = arith.constant 0 : i32
    %dma_start3A_262 = arith.constant 0 : i32
    %dma_start3A_263 = tpu.memref_slice %arg6[%dma_start3A_260, %dma_start3A_261, %dma_start3A_262] : memref<4x200x128xf32, #tpu.memory_space<vmem>> -> memref<1x200x128xf32, #tpu.memory_space<vmem>>
    %dma_start3A_264 = tpu.memref_squeeze %dma_start3A_263 : memref<1x200x128xf32, #tpu.memory_space<vmem>> -> memref<200x128xf32, #tpu.memory_space<vmem>>
    %dma_start3A_265 = arith.constant 0 : i32
    %dma_start3A_266 = tpu.memref_slice %arg4[%add3A_259, %dma_start3A_265] : memref<819200x128xf32, #tpu.memory_space<hbm>> -> memref<200x128xf32, #tpu.memory_space<hbm>>
    %dma_start3A_267 = arith.constant 0 : i32
    %dma_start3A_268 = tpu.memref_slice %arg4[%add3A_259, %dma_start3A_267] : memref<819200x128xf32, #tpu.memory_space<hbm>> -> memref<200x128xf32, #tpu.memory_space<hbm>>
    %dma_start3A_269 = arith.constant 0 : i32
    %dma_start3A_270 = arith.constant 0 : i32
    %dma_start3A_271 = tpu.memref_slice %arg6[%dma_start3A_260, %dma_start3A_269, %dma_start3A_270] : memref<4x200x128xf32, #tpu.memory_space<vmem>> -> memref<1x200x128xf32, #tpu.memory_space<vmem>>
    %dma_start3A_272 = tpu.memref_squeeze %dma_start3A_271 : memref<1x200x128xf32, #tpu.memory_space<vmem>> -> memref<200x128xf32, #tpu.memory_space<vmem>>
    tpu.enqueue_dma source(%dma_start3A_272 : memref<200x128xf32, #tpu.memory_space<vmem>>) target(%dma_start3A_268 : memref<200x128xf32, #tpu.memory_space<hbm>>) target_semaphore(%arg9 : memref<!tpu.dma_semaphore, #tpu.memory_space<semaphore_mem>>)
    %add3A_273 = arith.constant 25000 : i32
    %add3A_274 = arith.addi %mul3A_2, %add3A_273 : i32
    %dma_start3A_275 = arith.constant 1 : i32
    %dma_start3A_276 = arith.constant 0 : i32
    %dma_start3A_277 = arith.constant 0 : i32
    %dma_start3A_278 = tpu.memref_slice %arg6[%dma_start3A_275, %dma_start3A_276, %dma_start3A_277] : memref<4x200x128xf32, #tpu.memory_space<vmem>> -> memref<1x200x128xf32, #tpu.memory_space<vmem>>
    %dma_start3A_279 = tpu.memref_squeeze %dma_start3A_278 : memref<1x200x128xf32, #tpu.memory_space<vmem>> -> memref<200x128xf32, #tpu.memory_space<vmem>>
    %dma_start3A_280 = arith.constant 0 : i32
    %dma_start3A_281 = tpu.memref_slice %arg4[%add3A_274, %dma_start3A_280] : memref<819200x128xf32, #tpu.memory_space<hbm>> -> memref<200x128xf32, #tpu.memory_space<hbm>>
    %dma_start3A_282 = arith.constant 0 : i32
    %dma_start3A_283 = tpu.memref_slice %arg4[%add3A_274, %dma_start3A_282] : memref<819200x128xf32, #tpu.memory_space<hbm>> -> memref<200x128xf32, #tpu.memory_space<hbm>>
    %dma_start3A_284 = arith.constant 0 : i32
    %dma_start3A_285 = arith.constant 0 : i32
    %dma_start3A_286 = tpu.memref_slice %arg6[%dma_start3A_275, %dma_start3A_284, %dma_start3A_285] : memref<4x200x128xf32, #tpu.memory_space<vmem>> -> memref<1x200x128xf32, #tpu.memory_space<vmem>>
    %dma_start3A_287 = tpu.memref_squeeze %dma_start3A_286 : memref<1x200x128xf32, #tpu.memory_space<vmem>> -> memref<200x128xf32, #tpu.memory_space<vmem>>
    tpu.enqueue_dma source(%dma_start3A_287 : memref<200x128xf32, #tpu.memory_space<vmem>>) target(%dma_start3A_283 : memref<200x128xf32, #tpu.memory_space<hbm>>) target_semaphore(%arg9 : memref<!tpu.dma_semaphore, #tpu.memory_space<semaphore_mem>>)
    %dma_wait3A_288 = arith.constant 2 : i32
    %dma_wait3A_289 = arith.constant 0 : i32
    %dma_wait3A_290 = arith.constant 0 : i32
    %dma_wait3A_291 = tpu.memref_slice %arg6[%dma_wait3A_288, %dma_wait3A_289, %dma_wait3A_290] : memref<4x200x128xf32, #tpu.memory_space<vmem>> -> memref<1x200x128xf32, #tpu.memory_space<vmem>>
    %dma_wait3A_292 = tpu.memref_squeeze %dma_wait3A_291 : memref<1x200x128xf32, #tpu.memory_space<vmem>> -> memref<200x128xf32, #tpu.memory_space<vmem>>
    %dma_wait3A_293 = arith.constant 0 : i32
    %dma_wait3A_294 = tpu.memref_slice %arg5[%dma_wait3A_293] : memref<25600xi32, #tpu.memory_space<vmem>> -> memref<200xi32, #tpu.memory_space<vmem>>
    %dma_wait3A_295 = arith.constant 0 : i32
    %dma_wait3A_296 = arith.constant 0 : i32
    %dma_wait3A_297 = tpu.memref_slice %arg3[%dma_wait3A_295, %dma_wait3A_296] : memref<1000000x128xf32, #tpu.memory_space<hbm>> -> memref<1000000x128xf32, #tpu.memory_space<hbm>>
    tpu.wait_indirect_dma semaphore(%arg8 : memref<!tpu.dma_semaphore, #tpu.memory_space<semaphore_mem>>) src(%dma_wait3A_297 : memref<1000000x128xf32, #tpu.memory_space<hbm>>) dst(%dma_wait3A_292 : memref<200x128xf32, #tpu.memory_space<vmem>>)
    %dma_wait3A_298 = arith.constant 3 : i32
    %dma_wait3A_299 = arith.constant 0 : i32
    %dma_wait3A_300 = arith.constant 0 : i32
    %dma_wait3A_301 = tpu.memref_slice %arg6[%dma_wait3A_298, %dma_wait3A_299, %dma_wait3A_300] : memref<4x200x128xf32, #tpu.memory_space<vmem>> -> memref<1x200x128xf32, #tpu.memory_space<vmem>>
    %dma_wait3A_302 = tpu.memref_squeeze %dma_wait3A_301 : memref<1x200x128xf32, #tpu.memory_space<vmem>> -> memref<200x128xf32, #tpu.memory_space<vmem>>
    %dma_wait3A_303 = arith.constant 0 : i32
    %dma_wait3A_304 = tpu.memref_slice %arg5[%dma_wait3A_303] : memref<25600xi32, #tpu.memory_space<vmem>> -> memref<200xi32, #tpu.memory_space<vmem>>
    %dma_wait3A_305 = arith.constant 0 : i32
    %dma_wait3A_306 = arith.constant 0 : i32
    %dma_wait3A_307 = tpu.memref_slice %arg3[%dma_wait3A_305, %dma_wait3A_306] : memref<1000000x128xf32, #tpu.memory_space<hbm>> -> memref<1000000x128xf32, #tpu.memory_space<hbm>>
    tpu.wait_indirect_dma semaphore(%arg8 : memref<!tpu.dma_semaphore, #tpu.memory_space<semaphore_mem>>) src(%dma_wait3A_307 : memref<1000000x128xf32, #tpu.memory_space<hbm>>) dst(%dma_wait3A_302 : memref<200x128xf32, #tpu.memory_space<vmem>>)
    %dma_wait3A_308 = arith.constant 0 : i32
    %dma_wait3A_309 = arith.constant 0 : i32
    %dma_wait3A_310 = arith.constant 0 : i32
    %dma_wait3A_311 = tpu.memref_slice %arg6[%dma_wait3A_308, %dma_wait3A_309, %dma_wait3A_310] : memref<4x200x128xf32, #tpu.memory_space<vmem>> -> memref<1x200x128xf32, #tpu.memory_space<vmem>>
    %dma_wait3A_312 = tpu.memref_squeeze %dma_wait3A_311 : memref<1x200x128xf32, #tpu.memory_space<vmem>> -> memref<200x128xf32, #tpu.memory_space<vmem>>
    %dma_wait3A_313 = arith.constant 0 : i32
    %dma_wait3A_314 = tpu.memref_slice %arg4[%mul3A_2, %dma_wait3A_313] : memref<819200x128xf32, #tpu.memory_space<hbm>> -> memref<200x128xf32, #tpu.memory_space<hbm>>
    %dma_wait3A_315 = arith.constant 0 : i32
    %dma_wait3A_316 = tpu.memref_slice %arg4[%mul3A_2, %dma_wait3A_315] : memref<819200x128xf32, #tpu.memory_space<hbm>> -> memref<200x128xf32, #tpu.memory_space<hbm>>
    %dma_wait3A_317 = arith.constant 0 : i32
    %dma_wait3A_318 = arith.constant 0 : i32
    %dma_wait3A_319 = tpu.memref_slice %arg6[%dma_wait3A_308, %dma_wait3A_317, %dma_wait3A_318] : memref<4x200x128xf32, #tpu.memory_space<vmem>> -> memref<1x200x128xf32, #tpu.memory_space<vmem>>
    %dma_wait3A_320 = tpu.memref_squeeze %dma_wait3A_319 : memref<1x200x128xf32, #tpu.memory_space<vmem>> -> memref<200x128xf32, #tpu.memory_space<vmem>>
    tpu.wait_dma2 semaphore(%arg9 : memref<!tpu.dma_semaphore, #tpu.memory_space<semaphore_mem>>) src(%dma_wait3A_320 : memref<200x128xf32, #tpu.memory_space<vmem>>) dst(%dma_wait3A_316 : memref<200x128xf32, #tpu.memory_space<hbm>>)
    %dma_wait3A_321 = arith.constant 1 : i32
    %dma_wait3A_322 = arith.constant 0 : i32
    %dma_wait3A_323 = arith.constant 0 : i32
    %dma_wait3A_324 = tpu.memref_slice %arg6[%dma_wait3A_321, %dma_wait3A_322, %dma_wait3A_323] : memref<4x200x128xf32, #tpu.memory_space<vmem>> -> memref<1x200x128xf32, #tpu.memory_space<vmem>>
    %dma_wait3A_325 = tpu.memref_squeeze %dma_wait3A_324 : memref<1x200x128xf32, #tpu.memory_space<vmem>> -> memref<200x128xf32, #tpu.memory_space<vmem>>
    %dma_wait3A_326 = arith.constant 0 : i32
    %dma_wait3A_327 = tpu.memref_slice %arg4[%mul3A_2, %dma_wait3A_326] : memref<819200x128xf32, #tpu.memory_space<hbm>> -> memref<200x128xf32, #tpu.memory_space<hbm>>
    %dma_wait3A_328 = arith.constant 0 : i32
    %dma_wait3A_329 = tpu.memref_slice %arg4[%mul3A_2, %dma_wait3A_328] : memref<819200x128xf32, #tpu.memory_space<hbm>> -> memref<200x128xf32, #tpu.memory_space<hbm>>
    %dma_wait3A_330 = arith.constant 0 : i32
    %dma_wait3A_331 = arith.constant 0 : i32
    %dma_wait3A_332 = tpu.memref_slice %arg6[%dma_wait3A_321, %dma_wait3A_330, %dma_wait3A_331] : memref<4x200x128xf32, #tpu.memory_space<vmem>> -> memref<1x200x128xf32, #tpu.memory_space<vmem>>
    %dma_wait3A_333 = tpu.memref_squeeze %dma_wait3A_332 : memref<1x200x128xf32, #tpu.memory_space<vmem>> -> memref<200x128xf32, #tpu.memory_space<vmem>>
    tpu.wait_dma2 semaphore(%arg9 : memref<!tpu.dma_semaphore, #tpu.memory_space<semaphore_mem>>) src(%dma_wait3A_333 : memref<200x128xf32, #tpu.memory_space<vmem>>) dst(%dma_wait3A_329 : memref<200x128xf32, #tpu.memory_space<hbm>>)
    %add3A_334 = arith.constant 25200 : i32
    %add3A_335 = arith.addi %mul3A_2, %add3A_334 : i32
    %dma_start3A_336 = arith.constant 2 : i32
    %dma_start3A_337 = arith.constant 0 : i32
    %dma_start3A_338 = arith.constant 0 : i32
    %dma_start3A_339 = tpu.memref_slice %arg6[%dma_start3A_336, %dma_start3A_337, %dma_start3A_338] : memref<4x200x128xf32, #tpu.memory_space<vmem>> -> memref<1x200x128xf32, #tpu.memory_space<vmem>>
    %dma_start3A_340 = tpu.memref_squeeze %dma_start3A_339 : memref<1x200x128xf32, #tpu.memory_space<vmem>> -> memref<200x128xf32, #tpu.memory_space<vmem>>
    %dma_start3A_341 = arith.constant 0 : i32
    %dma_start3A_342 = tpu.memref_slice %arg4[%add3A_335, %dma_start3A_341] : memref<819200x128xf32, #tpu.memory_space<hbm>> -> memref<200x128xf32, #tpu.memory_space<hbm>>
    %dma_start3A_343 = arith.constant 0 : i32
    %dma_start3A_344 = tpu.memref_slice %arg4[%add3A_335, %dma_start3A_343] : memref<819200x128xf32, #tpu.memory_space<hbm>> -> memref<200x128xf32, #tpu.memory_space<hbm>>
    %dma_start3A_345 = arith.constant 0 : i32
    %dma_start3A_346 = arith.constant 0 : i32
    %dma_start3A_347 = tpu.memref_slice %arg6[%dma_start3A_336, %dma_start3A_345, %dma_start3A_346] : memref<4x200x128xf32, #tpu.memory_space<vmem>> -> memref<1x200x128xf32, #tpu.memory_space<vmem>>
    %dma_start3A_348 = tpu.memref_squeeze %dma_start3A_347 : memref<1x200x128xf32, #tpu.memory_space<vmem>> -> memref<200x128xf32, #tpu.memory_space<vmem>>
    tpu.enqueue_dma source(%dma_start3A_348 : memref<200x128xf32, #tpu.memory_space<vmem>>) target(%dma_start3A_344 : memref<200x128xf32, #tpu.memory_space<hbm>>) target_semaphore(%arg10 : memref<!tpu.dma_semaphore, #tpu.memory_space<semaphore_mem>>)
    %add3A_349 = arith.constant 25400 : i32
    %add3A_350 = arith.addi %mul3A_2, %add3A_349 : i32
    %dma_start3A_351 = arith.constant 3 : i32
    %dma_start3A_352 = arith.constant 0 : i32
    %dma_start3A_353 = arith.constant 0 : i32
    %dma_start3A_354 = tpu.memref_slice %arg6[%dma_start3A_351, %dma_start3A_352, %dma_start3A_353] : memref<4x200x128xf32, #tpu.memory_space<vmem>> -> memref<1x200x128xf32, #tpu.memory_space<vmem>>
    %dma_start3A_355 = tpu.memref_squeeze %dma_start3A_354 : memref<1x200x128xf32, #tpu.memory_space<vmem>> -> memref<200x128xf32, #tpu.memory_space<vmem>>
    %dma_start3A_356 = arith.constant 0 : i32
    %dma_start3A_357 = tpu.memref_slice %arg4[%add3A_350, %dma_start3A_356] : memref<819200x128xf32, #tpu.memory_space<hbm>> -> memref<200x128xf32, #tpu.memory_space<hbm>>
    %dma_start3A_358 = arith.constant 0 : i32
    %dma_start3A_359 = tpu.memref_slice %arg4[%add3A_350, %dma_start3A_358] : memref<819200x128xf32, #tpu.memory_space<hbm>> -> memref<200x128xf32, #tpu.memory_space<hbm>>
    %dma_start3A_360 = arith.constant 0 : i32
    %dma_start3A_361 = arith.constant 0 : i32
    %dma_start3A_362 = tpu.memref_slice %arg6[%dma_start3A_351, %dma_start3A_360, %dma_start3A_361] : memref<4x200x128xf32, #tpu.memory_space<vmem>> -> memref<1x200x128xf32, #tpu.memory_space<vmem>>
    %dma_start3A_363 = tpu.memref_squeeze %dma_start3A_362 : memref<1x200x128xf32, #tpu.memory_space<vmem>> -> memref<200x128xf32, #tpu.memory_space<vmem>>
    tpu.enqueue_dma source(%dma_start3A_363 : memref<200x128xf32, #tpu.memory_space<vmem>>) target(%dma_start3A_359 : memref<200x128xf32, #tpu.memory_space<hbm>>) target_semaphore(%arg10 : memref<!tpu.dma_semaphore, #tpu.memory_space<semaphore_mem>>)
    %dma_wait3A_364 = arith.constant 2 : i32
    %dma_wait3A_365 = arith.constant 0 : i32
    %dma_wait3A_366 = arith.constant 0 : i32
    %dma_wait3A_367 = tpu.memref_slice %arg6[%dma_wait3A_364, %dma_wait3A_365, %dma_wait3A_366] : memref<4x200x128xf32, #tpu.memory_space<vmem>> -> memref<1x200x128xf32, #tpu.memory_space<vmem>>
    %dma_wait3A_368 = tpu.memref_squeeze %dma_wait3A_367 : memref<1x200x128xf32, #tpu.memory_space<vmem>> -> memref<200x128xf32, #tpu.memory_space<vmem>>
    %dma_wait3A_369 = arith.constant 0 : i32
    %dma_wait3A_370 = tpu.memref_slice %arg4[%mul3A_2, %dma_wait3A_369] : memref<819200x128xf32, #tpu.memory_space<hbm>> -> memref<200x128xf32, #tpu.memory_space<hbm>>
    %dma_wait3A_371 = arith.constant 0 : i32
    %dma_wait3A_372 = tpu.memref_slice %arg4[%mul3A_2, %dma_wait3A_371] : memref<819200x128xf32, #tpu.memory_space<hbm>> -> memref<200x128xf32, #tpu.memory_space<hbm>>
    %dma_wait3A_373 = arith.constant 0 : i32
    %dma_wait3A_374 = arith.constant 0 : i32
    %dma_wait3A_375 = tpu.memref_slice %arg6[%dma_wait3A_364, %dma_wait3A_373, %dma_wait3A_374] : memref<4x200x128xf32, #tpu.memory_space<vmem>> -> memref<1x200x128xf32, #tpu.memory_space<vmem>>
    %dma_wait3A_376 = tpu.memref_squeeze %dma_wait3A_375 : memref<1x200x128xf32, #tpu.memory_space<vmem>> -> memref<200x128xf32, #tpu.memory_space<vmem>>
    tpu.wait_dma2 semaphore(%arg10 : memref<!tpu.dma_semaphore, #tpu.memory_space<semaphore_mem>>) src(%dma_wait3A_376 : memref<200x128xf32, #tpu.memory_space<vmem>>) dst(%dma_wait3A_372 : memref<200x128xf32, #tpu.memory_space<hbm>>)
    %dma_wait3A_377 = arith.constant 3 : i32
    %dma_wait3A_378 = arith.constant 0 : i32
    %dma_wait3A_379 = arith.constant 0 : i32
    %dma_wait3A_380 = tpu.memref_slice %arg6[%dma_wait3A_377, %dma_wait3A_378, %dma_wait3A_379] : memref<4x200x128xf32, #tpu.memory_space<vmem>> -> memref<1x200x128xf32, #tpu.memory_space<vmem>>
    %dma_wait3A_381 = tpu.memref_squeeze %dma_wait3A_380 : memref<1x200x128xf32, #tpu.memory_space<vmem>> -> memref<200x128xf32, #tpu.memory_space<vmem>>
    %dma_wait3A_382 = arith.constant 0 : i32
    %dma_wait3A_383 = tpu.memref_slice %arg4[%mul3A_2, %dma_wait3A_382] : memref<819200x128xf32, #tpu.memory_space<hbm>> -> memref<200x128xf32, #tpu.memory_space<hbm>>
    %dma_wait3A_384 = arith.constant 0 : i32
    %dma_wait3A_385 = tpu.memref_slice %arg4[%mul3A_2, %dma_wait3A_384] : memref<819200x128xf32, #tpu.memory_space<hbm>> -> memref<200x128xf32, #tpu.memory_space<hbm>>
    %dma_wait3A_386 = arith.constant 0 : i32
    %dma_wait3A_387 = arith.constant 0 : i32
    %dma_wait3A_388 = tpu.memref_slice %arg6[%dma_wait3A_377, %dma_wait3A_386, %dma_wait3A_387] : memref<4x200x128xf32, #tpu.memory_space<vmem>> -> memref<1x200x128xf32, #tpu.memory_space<vmem>>
    %dma_wait3A_389 = tpu.memref_squeeze %dma_wait3A_388 : memref<1x200x128xf32, #tpu.memory_space<vmem>> -> memref<200x128xf32, #tpu.memory_space<vmem>>
    tpu.wait_dma2 semaphore(%arg10 : memref<!tpu.dma_semaphore, #tpu.memory_space<semaphore_mem>>) src(%dma_wait3A_389 : memref<200x128xf32, #tpu.memory_space<vmem>>) dst(%dma_wait3A_385 : memref<200x128xf32, #tpu.memory_space<hbm>>)
    return
  }
}

module attributes {stable_mosaic.version = 14 : i64} {
  func.func @body(%arg0: i32, %arg1: memref<64x16384xf32, #tpu.memory_space<vmem>>, %arg2: memref<16384x128xf32, #tpu.memory_space<vmem>>) attributes {dimension_semantics = [#tpu.dimension_semantics<arbitrary>], iteration_bounds = array<i64: 62>, scalar_prefetch = 0 : i64, scratch_operands = 0 : i64, tpu.core_type = #tpu.core_type<tc>, window_params = [{transform_indices = @transform_0, window_bounds = array<i64: 64, 16384>}, {transform_indices = @transform_1, window_bounds = array<i64: 16384, 128>}]} {
    %get3A = arith.constant 0 : index
    %get3A_0 = arith.constant 0 : index
    %get3A_1 = vector.load %arg1[%get3A, %get3A_0] : memref<64x16384xf32, #tpu.memory_space<vmem>>, vector<64x16384xf32>
    %transpose3A = tpu.transpose %get3A_1, [1, 0] : vector<64x16384xf32> -> vector<16384x64xf32>
    %swap3A = arith.constant 0 : index
    %swap3A_2 = arith.constant 0 : index
    %swap3A_3 = vector.load %arg2[%swap3A, %swap3A_2] : memref<16384x128xf32, #tpu.memory_space<vmem>>, vector<16384x64xf32>
    tpu.vector_store %arg2[%swap3A, %swap3A_2], %transpose3A {strides = array<i32>} : memref<16384x128xf32, #tpu.memory_space<vmem>>, vector<16384x64xf32>,
    %broadcast_in_dim3A = arith.constant 0.000000e+00 : f32
    %broadcast_in_dim3A_4 = vector.broadcast %broadcast_in_dim3A : f32 to vector<16384x64xf32>
    %swap3A_5 = arith.constant 0 : index
    %swap3A_6 = arith.constant 64 : index
    %swap3A_7 = vector.load %arg2[%swap3A_5, %swap3A_6] : memref<16384x128xf32, #tpu.memory_space<vmem>>, vector<16384x64xf32>
    tpu.vector_store %arg2[%swap3A_5, %swap3A_6], %broadcast_in_dim3A_4 {strides = array<i32>} : memref<16384x128xf32, #tpu.memory_space<vmem>>, vector<16384x64xf32>,
    return
  }
  func.func @transform_0(%arg0: i32) -> (i32, i32) {
    %c0_i32 = arith.constant 0 : i32
    %c0_i32_0 = arith.constant 0 : i32
    return %c0_i32, %arg0 : i32, i32
  }
  func.func @transform_1(%arg0: i32) -> (i32, i32) {
    %c0_i32 = arith.constant 0 : i32
    %c0_i32_0 = arith.constant 0 : i32
    return %arg0, %c0_i32 : i32, i32
  }
}

</mosaic_0001>

<sc_bundles>
// kernel: kernel.4.cloned.1.call-start
scs
__scs_entry_jumppad:
0x0: {  	(pc) =	sbr.rel $0x88, $3  }
0x1: {  	(tag) =	ssettag $0x0;
	lr =	simm.s32 $0x1  }
0x2: {  	[smem:$0x3F9F] =	sst lr;
	_ =	strace $0xD0000000  }
0x3: {  	_ = 	snop  }
0x4: {  	_ = 	snop  }
0x5: {  	_ = 	snop  }
0x6: {  	_ = 	snop  }
0x7: {  	_ = 	snop  }
__scs_overlays_trampoline_lowered:
0x8: {  	[smem:$0x3FAE] =	sst s0  }
0x9: {  	[smem:$0x3FAF] =	sst s1  }
0xa: {  	[smem:$0x3FB0] =	sst s2  }
0xb: {  	[smem:$0x3FB1] =	sst s3  }
0xc: {  	[smem:$0x3FB2] =	sst s4  }
0xd: {  	[smem:$0x3FB3] =	sst s5  }
0xe: {  	[smem:$0x3FB4] =	sst s6  }
0xf: {  	[smem:$0x3FB5] =	sst s7  }
0x10: {  	[smem:$0x3FB6] =	sst s8  }
0x11: {  	[smem:$0x3FB7] =	sst s9;
	s0 =	simm.s32 @!p0 $0x0  }
0x12: {  	s1 =	sld [smem:$0x3F9D];
	s0 =	simm.s32 @p0 $0x1  }
0x13: {  	[smem:$0x3FB8] =	sst s0;
	s0 =	simm.s32 @!p1 $0x0  }
0x14: {  	s2 =	sld [smem:$0x3F9C];
	s0 =	simm.s32 @p1 $0x1  }
0x15: {  	[smem:$0x3FB9] =	sst s0;
	s0 =	simm.s32 @!p2 $0x0  }
0x16: {  	s3 =	sld [smem:$0x3FDB];
	s0 =	simm.s32 @p2 $0x1  }
0x17: {  	s4 =	simm.s32 $0x1BF5;
	[smem:$0x3FBB] =	sst s0  }
0x18: {  	s0 =	sld [smem:$0x3F9E];
	_ =	swait.ge [sflag:s4], $0x0  }
0x19: {  	s7 =	sld [smem:$0x3F9F]  }
0x1a: {  	s8 =	sadd.s32 $0xFFFFE003, lr  }
0x1b: {  	s9 =	sadd.s32 $0xFFFFFEF7, lr;
	s5 =	simm.s32 $0xFFFFFFFF;
	p2 =	slt.u32 s8, $0xFFFFF086  }
0x1c: {  	p1 =	slt.u32 s9, $0xF7A;
	s5 =	simm.s32 @!p2 $0x0  }
0x1d: {  	s5 =	simm.s32 @p1 $0x1;
	p0 =	seq.s32 s7, s2  }
0x1e: {  	s7 =	smul.u32 @!p0 $0xF7A, s2;
	p2 =	seq.s32 @!p0 s5, $0x0  }
0x1f: {  	s9 =	smul.u32 $0xF7A, s1;
	s8 =	simm.s32 @!p0 $0x1BF5;
	p2 =	por !p2, p0  }
0x20: {  	[sflag:s8] =	ssyncset.s32 @!p0 $0xFFFFF086;
	s6 =	sadd.s32 @!p0 s3, s7;
	s7 =	simm.s32 @!p0 $0x108  }
0x21: {  	s3 =	sadd.s32 s3, s9;
	s6 =	sadd.s32 @!p0 $0x88, s6;
	s7 =	simm.s32 @p2 $0x1082  }
0x22: {  	[simem:s7], [sflag:s8] =	dma.local @!p0 [hbm:s6], $0xF7A  }
0x23: {  	s9 =	sor.u32 $0xD0000000, s2;
	s6 =	simm.s32 $0x108;
	_ =	swait.ge @!p0 [sflag:s8], $0x0  }
0x24: {  	s3 =	sadd.s32 $0x88, s3;
	s6 =	simm.s32 @!p1 $0x1082;
	[sflag:s4] =	ssyncset.s32 $0xFFFFF086  }
0x25: {  	[simem:s6], [sflag:s4] =	dma.local [hbm:s3], $0xF7A  }
0x26: {  	[smem:$0x3F9F] =	sst s1;
	(tag) =	ssettag s2;
	_ =	strace s9  }
0x27: {  	s1 =	sld [smem:$0x3FAF]  }
0x28: {  	s2 =	sld [smem:$0x3FB0]  }
0x29: {  	s4 =	sld [smem:$0x3FB2]  }
0x2a: {  	p0 =	seq.s32 s5, $0x0;
	s5 =	sld [smem:$0x3FB3]  }
0x2b: {  	s6 =	sld [smem:$0x3FB4]  }
0x2c: {  	s7 =	sld [smem:$0x3FB5]  }
0x2d: {  	s3 =	simm.s32 $0x108;
	s8 =	sld [smem:$0x3FB6]  }
0x2e: {  	s3 =	simm.s32 @!p0 $0x1082;
	s9 =	sld [smem:$0x3FB7]  }
0x2f: {  	lr =	sadd.s32 s0, s3;
	s0 =	sld [smem:$0x3FAE]  }
0x30: {  	s3 =	sld [smem:$0x3FB1]  }
0x31: {  	[smem:$0x3FBA] =	sst s10  }
0x32: {  	s10 =	sld [smem:$0x3FB8];
	_ =	sdelay $0x3  }
0x33: {  	p0 =	seq.s32 s10, $0x1;
	s10 =	sld [smem:$0x3FBA];
	_ =	sdelay $0x3  }
0x34: {  	[smem:$0x3FBA] =	sst s10  }
0x35: {  	s10 =	sld [smem:$0x3FB9];
	_ =	sdelay $0x3  }
0x36: {  	p1 =	seq.s32 s10, $0x1;
	s10 =	sld [smem:$0x3FBA];
	_ =	sdelay $0x3  }
0x37: {  	[smem:$0x3FBA] =	sst s10  }
0x38: {  	s10 =	sld [smem:$0x3FBB]  }
0x39: {  	_ = 	snop;
	(pc) =	sbr.ind lr, $3  }
0x3a: {  	_ = 	snop  }
0x3b: {  	_ = 	snop  }
0x3c: {  	p2 =	seq.s32 s10, $0x1;
	s10 =	sld [smem:$0x3FBA]  }
0x3d: {  	_ =	shalt  }
0x3e: {  	_ =	shalt  }
0x3f: {  	_ =	shalt  }
0x40: {  	_ =	shalt  }
0x41: {  	_ =	shalt  }
0x42: {  	_ =	shalt  }
0x43: {  	_ =	shalt  }
0x44: {  	_ =	shalt  }
0x45: {  	_ =	shalt  }
0x46: {  	_ =	shalt  }
0x47: {  	_ =	shalt  }
0x48: {  	_ =	shalt  }
0x49: {  	_ =	shalt  }
0x4a: {  	_ =	shalt  }
0x4b: {  	_ =	shalt  }
0x4c: {  	_ =	shalt  }
0x4d: {  	_ =	shalt  }
0x4e: {  	_ =	shalt  }
0x4f: {  	_ =	shalt  }
0x50: {  	_ =	shalt  }
0x51: {  	_ =	shalt  }
0x52: {  	_ =	shalt  }
0x53: {  	_ =	shalt  }
0x54: {  	_ =	shalt  }
0x55: {  	_ =	shalt  }
0x56: {  	_ =	shalt  }
0x57: {  	_ =	shalt  }
0x58: {  	_ =	shalt  }
0x59: {  	_ =	shalt  }
0x5a: {  	_ =	shalt  }
0x5b: {  	_ =	shalt  }
0x5c: {  	_ =	shalt  }
0x5d: {  	_ =	shalt  }
0x5e: {  	_ =	shalt  }
0x5f: {  	_ =	shalt  }
0x60: {  	_ =	shalt  }
0x61: {  	_ =	shalt  }
0x62: {  	_ =	shalt  }
0x63: {  	_ =	shalt  }
0x64: {  	_ =	shalt  }
0x65: {  	_ =	shalt  }
0x66: {  	_ =	shalt  }
0x67: {  	_ =	shalt  }
0x68: {  	_ =	shalt  }
0x69: {  	_ =	shalt  }
0x6a: {  	_ =	shalt  }
0x6b: {  	_ =	shalt  }
0x6c: {  	_ =	shalt  }
0x6d: {  	_ =	shalt  }
0x6e: {  	_ =	shalt  }
0x6f: {  	_ =	shalt  }
0x70: {  	_ =	shalt  }
0x71: {  	_ =	shalt  }
0x72: {  	_ =	shalt  }
0x73: {  	_ =	shalt  }
0x74: {  	_ =	shalt  }
0x75: {  	_ =	shalt  }
0x76: {  	_ =	shalt  }
0x77: {  	_ =	shalt  }
0x78: {  	_ =	shalt  }
0x79: {  	_ =	shalt  }
0x7a: {  	_ =	shalt  }
0x7b: {  	_ =	shalt  }
0x7c: {  	_ =	shalt  }
0x7d: {  	_ =	shalt  }
0x7e: {  	_ =	shalt  }
0x7f: {  	_ =	shalt  }
0x80: {  	_ =	shalt  }
0x81: {  	_ =	shalt  }
0x82: {  	_ =	shalt  }
0x83: {  	_ =	shalt  }
0x84: {  	_ =	shalt  }
0x85: {  	_ =	shalt  }
0x86: {  	_ =	shalt  }
0x87: {  	_ =	shalt  }
.Lfunc_end0:
.L_simem_size_0:
called_computation.1_lowered:
.L_overlay_start_0:
0x88: {  	s2 =	sld [smem:$0x3FD9]  }
0x89: {  	s3 =	sld [smem:$0x3FFE];
	_ =	sdelay $0x1  }
0x8a: {  	s1 =	srdreg.scid  }
0x8b: {  	s0 =	sand.u32 $0x1, s1  }
0x8c: {  	s17 =	sshll.u32 s0, $0xA;
	s2 =	sadd.s32 s3, s2  }
0x8d: {  	s2 =	sadd.s32 s2, s17  }
0x8e: {  	[smem:$0x3FC6] =	sst s2  }
0x8f: {  	_ = 	snop  }
0x90: {  	s2 =	sld [smem:$0x3FD0];
	(tm) =	ssettm $0x1  }
0x91: {  	s18 =	sld [smem:$0x3FFB];
	_ =	sdelay $0x3  }
0x92: {  	_ =	strace s18  }
0x93: {  	s3 =	sld [smem:$0x3FFC];
	_ =	sdelay $0x3  }
0x94: {  	_ =	strace s3  }
0x95: {  	s3 =	sld [smem:$0x3FFD];
	_ =	sdelay $0x3  }
0x96: {  	_ =	strace s3  }
0x97: {  	_ =	strace $0x8FFFFFFF  }
0x98: {  	s19 =	sld [smem:$0x3FDB];
	_ =	sdelay $0x1  }
0x99: {  	s4 =	simm.s32 $_scs_section_size  }
0x9a: {  	s5 =	simm.s32 $_size__tile_overlayer_lowered;
	s6 =	simm.s32 $_tile_overlayer_lowered  }
0x9b: {  	s22 =	simm.s32 $0x1BFF;
	s21 =	sshll.u32 s6, $0x1;
	s3 =	sadd.s32 s4, s19  }
0x9c: {  	s7 =	simm.s32 $0x0;
	s20 =	sshll.u32 s5, $0x1;
	s5 =	sadd.s32 s21, s3  }
0x9d: {  	[timem:s7], [sflag:s22] =	dma.local [hbm:s5], s20  }
0x9e: {  	_ =	swait.ge [sflag:s22], s20  }
0x9f: {  	s4 =	ssub.s32 $0x0, s20;
	[sflag:s22] =	ssyncset.done $0x0  }
0xa0: {  	[sflag:s22] =	ssyncadd.s32 s4;
	_ =	sdelay $0x1  }
0xa1: {  	s23 =	simm.s32 $0x1B8B  }
0xa2: {  	_ =	swait.ge [sflag:s23], $0x1  }
0xa3: {  	[sflag:s23] =	ssyncset.done $0x0  }
0xa4: {  	s25 =	simm.s32 $0x1B8E;
	s24 =	sld [smem:$0x3FFE];
	[sflag:s23] =	ssyncadd.s32 $0xFFFFFFFF  }
0xa5: {  	s26 =	simm.s32 $execute0_lowered;
	[smem:$0x3FD2] =	sst s25  }
0xa6: {  	s5 =	sshll.u32 s26, $0x1;
	_ =	strace $0x80000046;
	[dreg:$0x1] =	wrdreg $0xFFFFFFFF  }
0xa7: {  	s28 =	simm.s32 $_size_execute0_lowered;
	s3 =	sadd.s32 s3, s5;
	[dreg:$0x0] =	wrdreg $0x0  }
0xa8: {  	s5 =	sshll.u32 s28, $0x1;
	[dreg:$0x2] =	wrdreg s3  }
0xa9: {  	[dreg:$0x3] =	wrdreg s5  }
0xaa: {  	[dreg:$0x4] =	wrdreg $0xC0  }
0xab: {  	_ =	task [dreg:s7], $0x5FFFF  }
0xac: {  	[dreg:$0x1] =	wrdreg $0xFFFFFFFF  }
0xad: {  	[dreg:$0x0] =	wrdreg $0x60  }
0xae: {  	[dreg:$0x2] =	wrdreg s2  }
0xaf: {  	[dreg:$0x3] =	wrdreg s24  }
0xb0: {  	[dreg:$0x4] =	wrdreg $0x9  }
0xb1: {  	_ =	task.clear_ibuf [dreg:s7], $0x5FFFF;
	_ =	strace $0x90000046  }
0xb2: {  	s29 =	simm.s32 $0x9;
	_ =	strace $0x80000048  }
0xb3: {  	_ =	swait.ge [sflag:s29], $0x1  }
0xb4: {  	[sflag:s29] =	ssyncadd.s32 $0xFFFFFFFF  }
0xb5: {  	_ =	strace $0x90000048  }
0xb6: {  	_ =	sfence  }
0xb7: {  	s30 =	sld [smem:$0x0];
	_ =	sdelay $0x2  }
0xb8: {  	s31 =	sshll.u32 s1, $0xD;
	s1 =	sshrl.u32 s1, $0x2  }
0xb9: {  	s3 =	sand.u32 $0x4000, s31;
	s1 =	sadd.s32 s1, s30  }
0xba: {  	s0 =	sor.u32 s3, s0;
	s1 =	sshll.u32 s1, $0x11  }
0xbb: {  	s0 =	sor.u32 s1, s0  }
0xbc: {  	s0 =	sadd.s32 $0x8F2B, s0  }
0xbd: {  	[sflag:s0] =	ssyncadd.remote.s32 $0x1  }
0xbe: {  	_ =	sfence.sel $0xFFFF  }
0xbf: {  	[dreg:$0x0] =	wrdreg $0xFFFFFFFF;
	(pc) =	sbr.abs _section_cstart, $3  }
0xc0: {  	[dreg:$0x1] =	wrdreg $0xFFFFFFFF  }
0xc1: {  	_ =	task.clear_ibuf [dreg:s7], $0x2FFFF;
	_ =	strace $0x9FFFFFFF  }
0xc2: {  	(tm) =	ssettm $0x7FFFFFFF  }
0xc3: {  	_ =	shalt  }
tec
execute0_lowered:
.L_overlay_start_1:
0x0: {  	(tag) =	ssettag $0x1  }
0x1: {  	s0 =	rddreg [dreg:$0x0];
	s1 =	srdreg.scid  }
0x2: {  	s11 =	stileid.u32;
	s4 =	rddreg [dreg:$0x1]  }
0x3: {  	s2 =	simm.s32 $0x0;
	s16 =	simm.s32 $0xC8;
	s17 =	simm.s32 $0x6400  }
0x4: {  	s18 =	simm.s32 $0xC800;
	s19 =	simm.s32 $0x1;
	s21 =	simm.s32 $0x12C00  }
0x5: {  	s23 =	simm.s32 $0x19000;
	s28 =	simm.s32 $0x3E8;
	s29 =	simm.s32 $0x4  }
0x6: {  	s30 =	simm.s32 $0x6270;
	s1 =	sand.u32 $0x1, s1;
	s3 =	sshll.u32 s11, $0x1  }
0x7: {  	[smem:$0x7FF] =	sst s2;
	s14 =	sadd.s32 $0xF42C00, s4;
	s15 =	smul.u32 $0xC8000, s11  }
0x8: {  	s5 =	sor.u32 s1, s3;
	s7 =	ssub.s32 $0x2, s1;
	s1 =	smul.u32 $0x64000, s1  }
0x9: {  	s31 =	simm.s32 $0x6338;
	_ =	strace $0x80000047;
	s6 =	smul.u32 $0x6400, s5  }
0xa: {  	s3 =	sadd.s32 $0x800, s4;
	s8 =	smul.u32 $0x64000, s5;
	s9 =	sshrl.u32 s7, $0x1  }
0xb: {  	s10 =	smul.u32 $0x320000, s5;
	s26 =	sadd.s32 s15, s14;
	s15 =	simm.s32 $0x5  }
0xc: {  	s13 =	ssub.s32 s7, s9;
	s24 =	sshrl.u32 s6, $0x3;
	s5 =	sadd.s32 s14, s8  }
0xd: {  	s25 =	sshrl.u32 s10, $0x3;
	s13 =	smax.u32 s13, $0x1;
	s4 =	sadd.s32 s0, s24  }
0xe: {  	s6 =	sadd.s32 $0xC80, s5;
	s7 =	sadd.s32 $0x1900, s5;
	s0 =	sadd.s32 s14, s25  }
0xf: {  	s8 =	sadd.s32 $0x2580, s5;
	s14 =	sadd.s32 s1, s26;
	s24 =	simm.s32 $0x2  }
0x10: {  	s25 =	simm.s32 $0x3;
	s1 =	simm.s32 $0x0;
	s9 =	sadd.s32 $0x60E00, s0  }
0x11: {  	s10 =	sadd.s32 $0x61A80, s0;
	s11 =	sadd.s32 $0x62700, s0;
	s12 =	sadd.s32 $0x63380, s0  }
.LBB2_1:
0x12: {  	[tilespmem:s2], [sflag:$0x5] =	stream.linear.gather [hbm4b:s4+s2], $0x6400, $0x38;
	[tilespmem:$0x1F400] =	vst v63  }
0x13: {  	_ =	swait.ge [sflag:s15], $0x6400  }
0x14: {  	[sflag:s15] =	ssyncset.done $0x0  }
0x15: {  	[sflag:s15] =	ssyncadd.s32 $0xFFFF9C00  }
0x16: {  	[tilespmem:s17], [sflag:$0x1] =	stream.indirect.gather [hbm4b:s3+s16], $0x80, s2, s16, $0xb8;
	[tilespmem:$0x1F400] =	vst v63  }
0x17: {  	_ = 	snop  }
0x18: {  	[tilespmem:s18], [sflag:$0x1] =	stream.indirect.gather [hbm4b:s3+s16], $0x80, s16, s16, $0xb8;
	[tilespmem:$0x1F400] =	vst v63  }
0x19: {  	_ =	swait.ge [sflag:s19], $0x6400  }
0x1a: {  	[sflag:s19] =	ssyncset.done $0x0  }
0x1b: {  	[sflag:s19] =	ssyncadd.s32 $0xFFFF9C00  }
0x1c: {  	_ =	swait.ge [sflag:s19], $0x6400  }
0x1d: {  	[sflag:s19] =	ssyncset.done $0x0  }
0x1e: {  	s0 =	simm.s32 $0x190;
	[sflag:s19] =	ssyncadd.s32 $0xFFFF9C00  }
0x1f: {  	[tilespmem:s21], [sflag:$0x2] =	stream.indirect.gather [hbm4b:s3+s16], $0x80, s0, s16, $0xb8;
	[tilespmem:$0x1F400] =	vst v63  }
0x20: {  	s22 =	simm.s32 $0x258  }
0x21: {  	[tilespmem:s23], [sflag:$0x2] =	stream.indirect.gather [hbm4b:s3+s16], $0x80, s22, s16, $0xb8;
	[tilespmem:$0x1F400] =	vst v63  }
0x22: {  	_ = 	snop  }
0x23: {  	[hbm4b:s5+s2] =	stream.linear.scatter [tilespmem:s17], [sflag:$0x3], $0x6400, $0x38;
	[tilespmem:$0x1F400] =	vst v63  }
0x24: {  	_ = 	snop  }
0x25: {  	[hbm4b:s6+s2] =	stream.linear.scatter [tilespmem:s18], [sflag:$0x3], $0x6400, $0x38;
	[tilespmem:$0x1F400] =	vst v63  }
0x26: {  	_ =	swait.ge [sflag:s24], $0x6400  }
0x27: {  	[sflag:s24] =	ssyncset.done $0x0  }
0x28: {  	[sflag:s24] =	ssyncadd.s32 $0xFFFF9C00  }
0x29: {  	_ =	swait.ge [sflag:s24], $0x6400  }
0x2a: {  	[sflag:s24] =	ssyncset.done $0x0  }
0x2b: {  	[sflag:s24] =	ssyncadd.s32 $0xFFFF9C00  }
0x2c: {  	_ =	swait.ge [sflag:s25], $0x6400  }
0x2d: {  	[sflag:s25] =	ssyncset.done $0x0  }
0x2e: {  	[sflag:s25] =	ssyncadd.s32 $0xFFFF9C00  }
0x2f: {  	_ =	swait.ge [sflag:s25], $0x6400  }
0x30: {  	[sflag:s25] =	ssyncset.done $0x0  }
0x31: {  	s26 =	simm.s32 $0x320;
	[sflag:s25] =	ssyncadd.s32 $0xFFFF9C00  }
0x32: {  	[tilespmem:s17], [sflag:$0x1] =	stream.indirect.gather [hbm4b:s3+s16], $0x80, s26, s16, $0xb8;
	[tilespmem:$0x1F400] =	vst v63  }
0x33: {  	_ = 	snop  }
0x34: {  	[tilespmem:s18], [sflag:$0x1] =	stream.indirect.gather [hbm4b:s3+s16], $0x80, s28, s16, $0xb8;
	[tilespmem:$0x1F400] =	vst v63  }
0x35: {  	_ = 	snop  }
0x36: {  	[hbm4b:s7+s2] =	stream.linear.scatter [tilespmem:s21], [sflag:$0x4], $0x6400, $0x38;
	[tilespmem:$0x1F400] =	vst v63  }
0x37: {  	_ = 	snop  }
0x38: {  	[hbm4b:s8+s2] =	stream.linear.scatter [tilespmem:s23], [sflag:$0x4], $0x6400, $0x38;
	[tilespmem:$0x1F400] =	vst v63  }
0x39: {  	_ =	swait.ge [sflag:s19], $0x6400  }
0x3a: {  	[sflag:s19] =	ssyncset.done $0x0  }
0x3b: {  	[sflag:s19] =	ssyncadd.s32 $0xFFFF9C00  }
0x3c: {  	_ =	swait.ge [sflag:s19], $0x6400  }
0x3d: {  	[sflag:s19] =	ssyncset.done $0x0  }
0x3e: {  	[sflag:s19] =	ssyncadd.s32 $0xFFFF9C00  }
0x3f: {  	_ =	swait.ge [sflag:s29], $0x6400  }
0x40: {  	[sflag:s29] =	ssyncset.done $0x0  }
0x41: {  	[sflag:s29] =	ssyncadd.s32 $0xFFFF9C00  }
0x42: {  	_ =	swait.ge [sflag:s29], $0x6400  }
0x43: {  	[sflag:s29] =	ssyncset.done $0x0  }
0x44: {  	s20 =	simm.s32 $0x4B0;
	[sflag:s29] =	ssyncadd.s32 $0xFFFF9C00  }
0x45: {  	[tilespmem:s21], [sflag:$0x2] =	stream.indirect.gather [hbm4b:s3+s16], $0x80, s20, s16, $0xb8;
	[tilespmem:$0x1F400] =	vst v63  }
0x46: {  	s22 =	simm.s32 $0x578;
	s20 =	sadd.s32 $0x0, s14  }
0x47: {  	[tilespmem:s23], [sflag:$0x2] =	stream.indirect.gather [hbm4b:s3+s16], $0x80, s22, s16, $0xb8;
	[tilespmem:$0x1F400] =	vst v63  }
0x48: {  	s26 =	sadd.s32 $0x3200, s20  }
0x49: {  	[hbm4b:s26+s2] =	stream.linear.scatter [tilespmem:s17], [sflag:$0x3], $0x6400, $0x38;
	[tilespmem:$0x1F400] =	vst v63  }
0x4a: {  	s22 =	sadd.s32 $0x3E80, s20  }
0x4b: {  	[hbm4b:s22+s2] =	stream.linear.scatter [tilespmem:s18], [sflag:$0x3], $0x6400, $0x38;
	[tilespmem:$0x1F400] =	vst v63  }
0x4c: {  	_ =	swait.ge [sflag:s24], $0x6400  }
0x4d: {  	[sflag:s24] =	ssyncset.done $0x0  }
0x4e: {  	[sflag:s24] =	ssyncadd.s32 $0xFFFF9C00  }
0x4f: {  	_ =	swait.ge [sflag:s24], $0x6400  }
0x50: {  	[sflag:s24] =	ssyncset.done $0x0  }
0x51: {  	[sflag:s24] =	ssyncadd.s32 $0xFFFF9C00  }
0x52: {  	_ =	swait.ge [sflag:s25], $0x6400  }
0x53: {  	[sflag:s25] =	ssyncset.done $0x0  }
0x54: {  	[sflag:s25] =	ssyncadd.s32 $0xFFFF9C00  }
0x55: {  	_ =	swait.ge [sflag:s25], $0x6400  }
0x56: {  	[sflag:s25] =	ssyncset.done $0x0  }
0x57: {  	s26 =	simm.s32 $0x640;
	[sflag:s25] =	ssyncadd.s32 $0xFFFF9C00  }
0x58: {  	[tilespmem:s17], [sflag:$0x1] =	stream.indirect.gather [hbm4b:s3+s16], $0x80, s26, s16, $0xb8;
	[tilespmem:$0x1F400] =	vst v63  }
0x59: {  	s0 =	simm.s32 $0x3200;
	s22 =	simm.s32 $0x708  }
0x5a: {  	[tilespmem:s18], [sflag:$0x1] =	stream.indirect.gather [hbm4b:s3+s16], $0x80, s22, s16, $0xb8;
	[tilespmem:$0x1F400] =	vst v63  }
0x5b: {  	s26 =	sadd.s32 $0x4B00, s20;
	s22 =	sadd.s32 $0x5780, s20;
	s20 =	simm.s32 $0xA28  }
0x5c: {  	[hbm4b:s26+s2] =	stream.linear.scatter [tilespmem:s21], [sflag:$0x4], $0x6400, $0x38;
	[tilespmem:$0x1F400] =	vst v63  }
.LBB2_2:
0x5d: {  	[hbm4b:s22+s2] =	stream.linear.scatter [tilespmem:s23], [sflag:$0x4], $0x6400, $0x38;
	[tilespmem:$0x1F400] =	vst v63  }
0x5e: {  	s22 =	smov.u32 s0  }
0x5f: {  	p0 =	sne.s32 s0, $0x5AA00;
	s0 =	sadd.s32 $0x3200, s0;
	_ =	swait.ge [sflag:s19], $0x6400  }
0x60: {  	[sflag:s19] =	ssyncset.done $0x0  }
0x61: {  	[sflag:s19] =	ssyncadd.s32 $0xFFFF9C00  }
0x62: {  	_ =	swait.ge [sflag:s19], $0x6400  }
0x63: {  	[sflag:s19] =	ssyncset.done $0x0  }
0x64: {  	[sflag:s19] =	ssyncadd.s32 $0xFFFF9C00  }
0x65: {  	_ =	swait.ge [sflag:s29], $0x6400  }
0x66: {  	[sflag:s29] =	ssyncset.done $0x0  }
0x67: {  	[sflag:s29] =	ssyncadd.s32 $0xFFFF9C00  }
0x68: {  	_ =	swait.ge [sflag:s29], $0x6400  }
0x69: {  	[sflag:s29] =	ssyncset.done $0x0  }
0x6a: {  	s26 =	sadd.s32 $0xFFFFFDA8, s20;
	[sflag:s29] =	ssyncadd.s32 $0xFFFF9C00  }
0x6b: {  	[tilespmem:s21], [sflag:$0x2] =	stream.indirect.gather [hbm4b:s3+s16], $0x80, s26, s16, $0xb8;
	[tilespmem:$0x1F400] =	vst v63  }
0x6c: {  	s22 =	sadd.s32 s22, s14;
	s26 =	sadd.s32 $0xFFFFFE70, s20  }
0x6d: {  	[tilespmem:s23], [sflag:$0x2] =	stream.indirect.gather [hbm4b:s3+s16], $0x80, s26, s16, $0xb8;
	[tilespmem:$0x1F400] =	vst v63  }
0x6e: {  	s26 =	sadd.s32 $0x3200, s22  }
0x6f: {  	[hbm4b:s26+s2] =	stream.linear.scatter [tilespmem:s17], [sflag:$0x3], $0x6400, $0x38;
	[tilespmem:$0x1F400] =	vst v63  }
0x70: {  	s26 =	sadd.s32 $0x3E80, s22  }
0x71: {  	[hbm4b:s26+s2] =	stream.linear.scatter [tilespmem:s18], [sflag:$0x3], $0x6400, $0x38;
	[tilespmem:$0x1F400] =	vst v63  }
0x72: {  	_ =	swait.ge [sflag:s24], $0x6400  }
0x73: {  	[sflag:s24] =	ssyncset.done $0x0  }
0x74: {  	[sflag:s24] =	ssyncadd.s32 $0xFFFF9C00  }
0x75: {  	_ =	swait.ge [sflag:s24], $0x6400  }
0x76: {  	[sflag:s24] =	ssyncset.done $0x0  }
0x77: {  	[sflag:s24] =	ssyncadd.s32 $0xFFFF9C00  }
0x78: {  	_ =	swait.ge [sflag:s25], $0x6400  }
0x79: {  	[sflag:s25] =	ssyncset.done $0x0  }
0x7a: {  	[sflag:s25] =	ssyncadd.s32 $0xFFFF9C00  }
0x7b: {  	_ =	swait.ge [sflag:s25], $0x6400  }
0x7c: {  	[sflag:s25] =	ssyncset.done $0x0  }
0x7d: {  	s26 =	sadd.s32 $0xFFFFFF38, s20;
	[sflag:s25] =	ssyncadd.s32 $0xFFFF9C00  }
0x7e: {  	[tilespmem:s17], [sflag:$0x1] =	stream.indirect.gather [hbm4b:s3+s16], $0x80, s26, s16, $0xb8;
	[tilespmem:$0x1F400] =	vst v63  }
.Ltmp0:
0x7f: {  	(pc) =	sbr.rel @p0 .LBB2_2-.Ltmp0, $4  }
0x80: {  	[tilespmem:s18], [sflag:$0x1] =	stream.indirect.gather [hbm4b:s3+s16], $0x80, s20, s16, $0xb8;
	[tilespmem:$0x1F400] =	vst v63  }
0x81: {  	s26 =	sadd.s32 $0x4B00, s22  }
0x82: {  	[hbm4b:s26+s2] =	stream.linear.scatter [tilespmem:s21], [sflag:$0x4], $0x6400, $0x38;
	[tilespmem:$0x1F400] =	vst v63  }
0x83: {  	s22 =	sadd.s32 $0x5780, s22;
	s20 =	sadd.s32 $0x320, s20  }
0x84: {  	[hbm4b:s22+s2] =	stream.linear.scatter [tilespmem:s23], [sflag:$0x4], $0x6400, $0x38;
	[tilespmem:$0x1F400] =	vst v63  }
0x85: {  	_ =	swait.ge [sflag:s19], $0x6400  }
0x86: {  	[sflag:s19] =	ssyncset.done $0x0  }
0x87: {  	[sflag:s19] =	ssyncadd.s32 $0xFFFF9C00  }
0x88: {  	_ =	swait.ge [sflag:s19], $0x6400  }
0x89: {  	[sflag:s19] =	ssyncset.done $0x0  }
0x8a: {  	[sflag:s19] =	ssyncadd.s32 $0xFFFF9C00  }
0x8b: {  	_ =	swait.ge [sflag:s29], $0x6400  }
0x8c: {  	[sflag:s29] =	ssyncset.done $0x0  }
0x8d: {  	[sflag:s29] =	ssyncadd.s32 $0xFFFF9C00  }
0x8e: {  	_ =	swait.ge [sflag:s29], $0x6400  }
0x8f: {  	[sflag:s29] =	ssyncset.done $0x0  }
0x90: {  	[sflag:s29] =	ssyncadd.s32 $0xFFFF9C00  }
0x91: {  	[tilespmem:s21], [sflag:$0x2] =	stream.indirect.gather [hbm4b:s3+s16], $0x80, s30, s16, $0xb8;
	[tilespmem:$0x1F400] =	vst v63  }
0x92: {  	_ = 	snop  }
0x93: {  	[tilespmem:s23], [sflag:$0x2] =	stream.indirect.gather [hbm4b:s3+s16], $0x80, s31, s16, $0xb8;
	[tilespmem:$0x1F400] =	vst v63  }
0x94: {  	_ = 	snop  }
0x95: {  	[hbm4b:s9+s2] =	stream.linear.scatter [tilespmem:s17], [sflag:$0x3], $0x6400, $0x38;
	[tilespmem:$0x1F400] =	vst v63  }
0x96: {  	_ = 	snop  }
0x97: {  	[hbm4b:s10+s2] =	stream.linear.scatter [tilespmem:s18], [sflag:$0x3], $0x6400, $0x38;
	[tilespmem:$0x1F400] =	vst v63  }
0x98: {  	_ =	swait.ge [sflag:s24], $0x6400  }
0x99: {  	[sflag:s24] =	ssyncset.done $0x0  }
0x9a: {  	[sflag:s24] =	ssyncadd.s32 $0xFFFF9C00  }
0x9b: {  	_ =	swait.ge [sflag:s24], $0x6400  }
0x9c: {  	[sflag:s24] =	ssyncset.done $0x0  }
0x9d: {  	[sflag:s24] =	ssyncadd.s32 $0xFFFF9C00  }
0x9e: {  	_ =	swait.ge [sflag:s25], $0x6400  }
0x9f: {  	[sflag:s25] =	ssyncset.done $0x0  }
0xa0: {  	[sflag:s25] =	ssyncadd.s32 $0xFFFF9C00  }
0xa1: {  	_ =	swait.ge [sflag:s25], $0x6400  }
0xa2: {  	[sflag:s25] =	ssyncset.done $0x0  }
0xa3: {  	[sflag:s25] =	ssyncadd.s32 $0xFFFF9C00  }
0xa4: {  	[hbm4b:s11+s2] =	stream.linear.scatter [tilespmem:s21], [sflag:$0x4], $0x6400, $0x38;
	[tilespmem:$0x1F400] =	vst v63  }
0xa5: {  	s1 =	sadd.s32 $0x1, s1  }
0xa6: {  	[hbm4b:s12+s2] =	stream.linear.scatter [tilespmem:s23], [sflag:$0x4], $0x6400, $0x38;
	[tilespmem:$0x1F400] =	vst v63  }
0xa7: {  	p0 =	sne.s32 s1, s13;
	_ =	swait.ge [sflag:s29], $0x6400  }
.Ltmp1:
0xa8: {  	[sflag:s29] =	ssyncset.done $0x0;
	(pc) =	sbr.rel @p0 .LBB2_1-.Ltmp1, $4  }
0xa9: {  	[sflag:s29] =	ssyncadd.s32 $0xFFFF9C00  }
0xaa: {  	_ =	swait.ge [sflag:s29], $0x6400  }
0xab: {  	[sflag:s29] =	ssyncset.done $0x0  }
0xac: {  	[sflag:s29] =	ssyncadd.s32 $0xFFFF9C00  }
0xad: {  	_ =	sfence.sel $0x180000  }
0xae: {  	[bflag:$0x0] =	sbarrier.arrive $0xFFFF  }
0xaf: {  	_ =	strace $0x90000047  }
0xb0: {  	s0 =	stileid.u32;
	[bflag:$0x2] =	sbarrier.arrive $0xFFFF  }
0xb1: {  	p0 =	sne.s32 s0, $0x0;
	s0 =	rddreg [dreg:$0x2]  }
0xb2: {  	s0 =	sadd.s32 @!p0 $0x100000, s0  }
0xb3: {  	[sflag:s0] =	ssyncadd.tile.s32 @!p0 $0x1;
	_ =	shalt  }
.Lfunc_end2:
_tile_overlayer_lowered:
.L_overlay_start_2:
0xb4: {  	(tag) =	ssettag $0x2  }
0xb5: {  	s0 =	rddreg [dreg:$0x0];
	s2 =	stileid.u32  }
0xb6: {  	s1 =	rddreg [dreg:$0x1];
	p0 =	sne.s32 s2, $0x0  }
0xb7: {  	s3 =	rddreg [dreg:$0x2];
	[bflag:$0x3] =	sbarrier.arrive $0xFFFF;
	s2 =	simm.s32 @!p0 $0x1C05  }
0xb8: {  	[timem:s3], [sflag:s2] =	dma.local @!p0 [hbm:s0], s1  }
0xb9: {  	s0 =	simm.s32 @!p0 $0x5  }
0xba: {  	_ =	swait.ge @!p0 [sflag:s0], s1  }
0xbb: {  	s1 =	ssub.s32 @!p0 $0x0, s1;
	[sflag:s0] =	ssyncset.done @!p0 $0x0  }
0xbc: {  	[sflag:s0] =	ssyncadd.s32 @!p0 s1  }
0xbd: {  	[bflag:$0x3] =	sbarrier.arrive $0xFFFF  }
0xbe: {  	_ =	shalt  }

// kernel: sparse-core-data-format-call.cloned.1.call-start
scs
called_computation_lowered:
.L_overlay_start_0:
0x0: {  	s2 =	sld [smem:$0x3FD9]  }
0x1: {  	s3 =	sld [smem:$0x3FFE];
	_ =	sdelay $0x1  }
0x2: {  	s1 =	srdreg.scid  }
0x3: {  	s0 =	sand.u32 $0x1, s1  }
0x4: {  	s18 =	sshll.u32 s0, $0xA;
	s2 =	sadd.s32 s3, s2  }
0x5: {  	s2 =	sadd.s32 s2, s18  }
0x6: {  	[smem:$0x3FC6] =	sst s2  }
0x7: {  	_ = 	snop  }
0x8: {  	s2 =	sld [smem:$0x3FD0];
	(tm) =	ssettm $0x1  }
0x9: {  	s19 =	sld [smem:$0x3FFB];
	_ =	sdelay $0x3  }
0xa: {  	_ =	strace s19  }
0xb: {  	s3 =	sld [smem:$0x3FFC];
	_ =	sdelay $0x3  }
0xc: {  	_ =	strace s3  }
0xd: {  	s3 =	sld [smem:$0x3FFD];
	_ =	sdelay $0x3  }
0xe: {  	_ =	strace s3  }
0xf: {  	_ =	strace $0x8FFFFFFF  }
0x10: {  	s20 =	sld [smem:$0x3FDB];
	_ =	sdelay $0x1  }
0x11: {  	s4 =	simm.s32 $_scs_section_size  }
0x12: {  	s5 =	simm.s32 $_size__tile_overlayer_lowered;
	s6 =	simm.s32 $_tile_overlayer_lowered  }
0x13: {  	s23 =	simm.s32 $0x1BFF;
	s22 =	sshll.u32 s6, $0x1;
	s3 =	sadd.s32 s4, s20  }
0x14: {  	s7 =	simm.s32 $0x0;
	s21 =	sshll.u32 s5, $0x1;
	s5 =	sadd.s32 s22, s3  }
0x15: {  	[timem:s7], [sflag:s23] =	dma.local [hbm:s5], s21  }
0x16: {  	_ =	swait.ge [sflag:s23], s21  }
0x17: {  	s4 =	ssub.s32 $0x0, s21;
	[sflag:s23] =	ssyncset.done $0x0  }
0x18: {  	[sflag:s23] =	ssyncadd.s32 s4;
	_ =	sdelay $0x1  }
0x19: {  	s24 =	simm.s32 $0x1B8B  }
0x1a: {  	_ =	swait.ge [sflag:s24], $0x1  }
0x1b: {  	[sflag:s24] =	ssyncset.done $0x0  }
0x1c: {  	s26 =	simm.s32 $0x1B8E;
	s25 =	sld [smem:$0x3FFE];
	[sflag:s24] =	ssyncadd.s32 $0xFFFFFFFF  }
0x1d: {  	s27 =	simm.s32 $execute0_lowered;
	[smem:$0x3FD2] =	sst s26  }
0x1e: {  	s5 =	sshll.u32 s27, $0x1;
	_ =	strace $0x80000049;
	[dreg:$0x1] =	wrdreg $0xFFFFFFFF  }
0x1f: {  	s28 =	simm.s32 $_size_execute0_lowered;
	s3 =	sadd.s32 s3, s5;
	[dreg:$0x0] =	wrdreg $0x0  }
0x20: {  	s5 =	sshll.u32 s28, $0x1;
	[dreg:$0x2] =	wrdreg s3  }
0x21: {  	[dreg:$0x3] =	wrdreg s5  }
0x22: {  	[dreg:$0x4] =	wrdreg $0xC0  }
0x23: {  	_ =	task [dreg:s7], $0x5FFFF  }
0x24: {  	[dreg:$0x1] =	wrdreg $0xFFFFFFFF  }
0x25: {  	[dreg:$0x0] =	wrdreg $0x60  }
0x26: {  	[dreg:$0x2] =	wrdreg s25  }
0x27: {  	[dreg:$0x3] =	wrdreg s2  }
0x28: {  	[dreg:$0x4] =	wrdreg $0x9  }
0x29: {  	_ =	task.clear_ibuf [dreg:s7], $0x5FFFF;
	_ =	strace $0x90000049  }
0x2a: {  	s29 =	simm.s32 $0x9;
	_ =	strace $0x8000004B  }
0x2b: {  	_ =	swait.ge [sflag:s29], $0x1  }
0x2c: {  	[sflag:s29] =	ssyncadd.s32 $0xFFFFFFFF  }
0x2d: {  	_ =	strace $0x9000004B  }
0x2e: {  	_ =	sfence  }
0x2f: {  	s30 =	sld [smem:$0x0];
	_ =	sdelay $0x2  }
0x30: {  	s31 =	sshll.u32 s1, $0xD;
	s1 =	sshrl.u32 s1, $0x2  }
0x31: {  	s3 =	sand.u32 $0x4000, s31;
	s1 =	sadd.s32 s1, s30  }
0x32: {  	s0 =	sor.u32 s3, s0;
	s1 =	sshll.u32 s1, $0x11  }
0x33: {  	s0 =	sor.u32 s1, s0  }
0x34: {  	s0 =	sadd.s32 $0x8F2B, s0  }
0x35: {  	[sflag:s0] =	ssyncadd.remote.s32 $0x1  }
0x36: {  	_ =	sfence.sel $0xFFFF  }
0x37: {  	[dreg:$0x0] =	wrdreg $0xFFFFFFFF;
	(pc) =	sbr.abs _section_cstart, $3  }
0x38: {  	[dreg:$0x1] =	wrdreg $0xFFFFFFFF  }
0x39: {  	_ =	task.clear_ibuf [dreg:s7], $0x2FFFF;
	_ =	strace $0x9FFFFFFF  }
0x3a: {  	(tm) =	ssettm $0x7FFFFFFF  }
0x3b: {  	_ =	shalt  }
tec
execute0_lowered:
.L_overlay_start_1:
0x0: {  	(tag) =	ssettag $0x1  }
0x1: {  	s0 =	srdreg.scid  }
0x2: {  	s1 =	sshll.u32 s0, $0x4  }
0x3: {  	s0 =	stileid.u32;
	s1 =	sand.u32 $0x10, s1  }
0x4: {  	s1 =	sor.u32 s0, s1  }
0x5: {  	s6 =	rddreg [dreg:$0x0];
	s4 =	simm.s32 $0x1;
	s2 =	sshll.u32 s1, $0x7  }
0x6: {  	s7 =	simm.s32 $0x2;
	s12 =	simm.s32 $0x0;
	s1 =	ssub.s32 $0x1000, s2  }
0x7: {  	s8 =	simm.s32 $0x8000;
	s13 =	simm.s32 $0x0;
	s3 =	sand.u32 $0xF80, s1  }
0x8: {  	s9 =	simm.s32 $0x0;
	s5 =	sshrl.u32 s1, $0xC;
	p0 =	sne.s32 s3, $0x0  }
.Ltmp0:
0x9: {  	s1 =	rddreg [dreg:$0x2];
	s4 =	simm.s32 @!p0 $0x0;
	(pc) =	sbr.rel .LBB1_1-.Ltmp0, $4  }
0xa: {  	s11 =	simm.s32 $0x0;
	s3 =	rddreg [dreg:$0x1];
	s5 =	sadd.s32 s4, s5  }
0xb: {  	_ =	strace $0x8000004A;
	s4 =	simm.s32 $0x1;
	s5 =	smul.u32 $0xC8, s5  }
0xc: {  	s6 =	sadd.s32 $0xF42C00, s6;
	s10 =	smov.u32 s2;
	[sflag:s4] =	ssyncpa.u1 $0x0  }
0xd: {  	p0 =	por $0x0, $0x0;
	[sflag:s7] =	ssyncpa.u1 $0x0;
	s7 =	sor.u32 $0x1, s5  }
.LBB1_4:
0xe: {  	s16 =	sshll.u32 s13, $0x3;
	s17 =	sand.u32 $0x78, s13  }
0xf: {  	s30 =	sand.u32 $0x7E00, s13;
	s12 =	sshll.u32 s12, $0xF;
	s16 =	sand.u32 $0xC00, s16  }
0x10: {  	[tilespmem:s15+$0x810 ss:$0x81] =	vst.msk $0xffff, v2;
	s31 =	sand.u32 $0x7, s13;
	s16 =	sor.u32 s17, s16;
	s17 =	sadd.s32 s3, s30  }
0x11: {  	[tilespmem:s15+$0x1020 ss:$0x81] =	vst.msk $0xffff, v0;
	s13 =	sshll.u32 s31, $0x12;
	s12 =	sadd.s32 s12, s17;
	s16 =	sshrl.u32 s16, $0x3  }
0x12: {  	[tilespmem:s15+$0x0 ss:$0x81] =	vst.msk $0xffff, v1;
	s13 =	sor.u32 $0x400, s13;
	s12 =	sadd.s32 s16, s12  }
0x13: {  	[hbm4b:s12+s13] =	stream.strided.scatter [tilespmem:s14], [sflag:$0x2], $0x2000, s8, s13, $0x20;
	[tilespmem:$0x8080] =	vst v63  }
.LBB1_5:
0x14: {  	s14 =	sadd.s32 $0x1, s9  }
0x15: {  	s12 =	sadd.s32 $0x1000, s10;
	s16 =	smov.u32 s10;
	p2 =	sgt.s32 s14, $0xC7  }
0x16: {  	s16 =	smov.u32 @p2 s12  }
0x17: {  	s14 =	simm.s32 @p2 $0x0;
	p2 =	sgt.s32 s16, $0xFFF  }
0x18: {  	s16 =	smov.u32 @p2 s2;
	p2 =	sne.s32 s11, s7  }
.Ltmp1:
0x19: {  	p1 =	slt.u32 s11, $0x2;
	(pc) =	sbr.rel @!p2 .LBB1_6-.Ltmp1, $4  }
0x1a: {  	s15 =	simm.s32 @!p1 $0x2  }
0x1b: {  	s13 =	smov.u32 s10;
	p0 =	por !p0, !p0;
	_ =	swait.ge @!p1 [sflag:s15], $0x2000  }
0x1c: {  	s12 =	smov.u32 s9;
	[sflag:s15] =	ssyncset.done @!p1 $0x0;
	s9 =	smov.u32 s14  }
0x1d: {  	s11 =	sadd.s32 $0x1, s11;
	[sflag:s15] =	ssyncadd.s32 @!p1 $0xFFFFE000;
	s10 =	smov.u32 s16  }
.LBB1_1:
0x1e: {  	p1 =	sge.u32 s11, s5  }
0x1f: {  	s14 =	sand.u32 @!p1 $0x1FFFFFF, s9  }
0x20: {  	s15 =	smulhi.u32 @!p1 $0x147AE15, s14;
	_ =	sdelay $0x1  }
0x21: {  	s15 =	smul.u32 @!p1 $0xC8, s15  }
0x22: {  	s16 =	sxor.u32 @!p1 $0xFFFFFFFF, s11;
	s17 =	smul.u32 @!p1 $0xC80, s10  }
0x23: {  	s31 =	sadd.s32 $0xFFFFFFFF, s11;
	s16 =	sshll.u32 @!p1 s16, $0xD;
	s14 =	ssub.s32 @!p1 s14, s15  }
0x24: {  	s15 =	sand.u32 @!p1 $0x2000, s16;
	s16 =	sadd.s32 @!p1 s6, s17;
	s14 =	sshll.u32 @!p1 s14, $0x4  }
0x25: {  	s17 =	simm.s32 @!p1 $0x6400;
	s14 =	sadd.s32 @!p1 s14, s16;
	s16 =	simm.s32 @!p1 $0x40  }
0x26: {  	[tilespmem:s15], [sflag:$0x1] =	stream.strided.gather @!p1 [hbm4b:s14+s16], $0x2000, s17, s16, $0x38;
	[tilespmem:$0x8080] =	vst v63  }
0x27: {  	p1 =	sge.u32 s31, s5  }
.Ltmp2:
0x28: {  	_ = 	snop;
	(pc) =	sbr.rel @p1 .LBB1_5-.Ltmp2, $1  }
0x29: {  	_ =	sdelay $0x3  }
0x2a: {  	s14 =	simm.s32 $0x1  }
0x2b: {  	_ =	swait.ge [sflag:s4], $0x2000;
	s14 =	simm.s32 @!p0 $0x0  }
0x2c: {  	[sflag:s4] =	ssyncset.done $0x0;
	s15 =	sshll.u32 s14, $0xD  }
0x2d: {  	[sflag:s4] =	ssyncadd.s32 $0xFFFFE000;
	s18 =	sor.u32 $0x20, s15  }
0x2e: {  	s14 =	smul.u32 $0x8100, s14;
	v3 =	vld [tilespmem:s18+$0x10]  }
0x2f: {  	s30 =	sand.u32 $0x1, s11;
	v2 =	vld [tilespmem:s18+$0xFFFFFFF0]  }
0x30: {  	s15 =	smul.u32 $0x8100, s30;
	s14 =	sshrl.u32 s14, $0x2;
	v0 =	vld [tilespmem:s18+$0x0]  }
0x31: {  	v1 =	vld [tilespmem:s18+$0xFFFFFFE0];
	s16 =	sor.u32 $0x4000, s14  }
0x32: {  	s31 =	sshrl.u32 s15, $0x2;
	s15 =	sadd.s32 $0x0, s16  }
0x33: {  	s17 =	simm.s32 $0x4;
	s18 =	sadd.s32 $0x40, s18;
	s14 =	sor.u32 $0x4000, s31;
	[tilespmem:s15+$0x1830 ss:$0x81] =	vst.msk $0xffff, v3  }
.LBB1_3:
0x34: {  	v3 =	vld [tilespmem:s18+$0x10];
	p1 =	sne.s32 s17, $0x1FC;
	[tilespmem:s15+$0x810 ss:$0x81] =	vst.msk $0xffff, v2;
	s19 =	smov.u32 s17;
	s17 =	sadd.s32 $0x4, s17  }
.Ltmp3:
0x35: {  	v2 =	vld [tilespmem:s18+$0xFFFFFFF0];
	[tilespmem:s15+$0x1020 ss:$0x81] =	vst.msk $0xffff, v0;
	(pc) =	sbr.rel @p1 .LBB1_3-.Ltmp3, $4  }
0x36: {  	v0 =	vld [tilespmem:s18+$0x0];
	[tilespmem:s15+$0x0 ss:$0x81] =	vst.msk $0xffff, v1  }
0x37: {  	s15 =	sshra.s32 s19, $0x2;
	v1 =	vld [tilespmem:s18+$0xFFFFFFE0]  }
0x38: {  	s15 =	sadd.s32 s15, s16  }
0x39: {  	s18 =	sadd.s32 $0x40, s18;
	[tilespmem:s15+$0x1830 ss:$0x81] =	vst.msk $0xffff, v3  }
.Ltmp4:
0x3a: {  	_ = 	snop;
	(pc) =	sbr.rel .LBB1_4-.Ltmp4, $1  }
0x3b: {  	_ =	sdelay $0x3  }
.LBB1_6:
0x3c: {  	_ =	sfence.sel $0x180000  }
0x3d: {  	s2 =	simm.s32 $0x1;
	[bflag:$0x0] =	sbarrier.arrive $0xFFFF  }
0x3e: {  	s31 =	simm.s32 $0x2;
	[sflag:s2] =	ssyncpa.u1 $0x1  }
0x3f: {  	[sflag:s31] =	ssyncpa.u1 $0x1  }
0x40: {  	p0 =	sne.s32 s0, $0x0;
	_ =	strace $0x9000004A  }
0x41: {  	s0 =	sadd.s32 @!p0 $0x100000, s1;
	[bflag:$0x2] =	sbarrier.arrive $0xFFFF  }
0x42: {  	[sflag:s0] =	ssyncadd.tile.s32 @!p0 $0x1;
	_ =	shalt  }
.Lfunc_end1:
_tile_overlayer_lowered:
.L_overlay_start_2:
0x43: {  	(tag) =	ssettag $0x2  }
0x44: {  	s0 =	rddreg [dreg:$0x0];
	s2 =	stileid.u32  }
0x45: {  	s1 =	rddreg [dreg:$0x1];
	p0 =	sne.s32 s2, $0x0  }
0x46: {  	s3 =	rddreg [dreg:$0x2];
	[bflag:$0x3] =	sbarrier.arrive $0xFFFF;
	s2 =	simm.s32 @!p0 $0x1C01  }
0x47: {  	[timem:s3], [sflag:s2] =	dma.local @!p0 [hbm:s0], s1  }
0x48: {  	s0 =	simm.s32 @!p0 $0x1  }
0x49: {  	_ =	swait.ge @!p0 [sflag:s0], s1  }
0x4a: {  	s1 =	ssub.s32 @!p0 $0x0, s1;
	[sflag:s0] =	ssyncset.done @!p0 $0x0  }
0x4b: {  	[sflag:s0] =	ssyncadd.s32 @!p0 s1  }
0x4c: {  	[bflag:$0x3] =	sbarrier.arrive $0xFFFF  }
0x4d: {  	_ =	shalt  }

</sc_bundles>
